<compile_context>
chip_gen: v7x
topology: tpu7x:2x2x1
jax: 0.10.2.dev20260603
libtpu: 0.0.44.dev20260713+nightly
codegen_flags: <defaults>
</compile_context>

<pallas_src>
import functools

import jax
import jax.numpy as jnp
from jax import lax
from jax.experimental import pallas as pl
from jax.experimental.pallas import tpu as pltpu
from jax.experimental.pallas import tpu_sc as plsc

NUM_FACTORS = 128
AGE_BINS = 10
BATCH = 16384
AGE_MIN = 5.0
AGE_MAX = 21.0

NC = 2
NS = 16
NW = NC * NS
ROWS_PER_W = BATCH // NW
NCH = NUM_FACTORS // 16
NCOMBO = 2 * AGE_BINS


def _body(pred_hbm, age_hbm, gen_hbm, means_hbm, stds_hbm, gadj_hbm, w_hbm,
          out_hbm,
          pred_v, age_v, gen_v, means_v, stds_v, gadj_v, w_v,
          a_v, c_v, cidx_v, perm_v, off_lo, off_w, sem, sem_idx, sem_tab):
    wid = lax.axis_index("s") * NC + lax.axis_index("c")
    base = wid * ROWS_PER_W

    cp = pltpu.async_copy(pred_hbm.at[pl.ds(base, ROWS_PER_W), :], pred_v, sem)
    cp_age = pltpu.async_copy(age_hbm.at[pl.ds(base, ROWS_PER_W)], age_v, sem_idx)
    cp_gen = pltpu.async_copy(gen_hbm.at[pl.ds(base, ROWS_PER_W)], gen_v, sem_idx)
    cp_m = pltpu.async_copy(means_hbm, means_v, sem_tab)
    cp_s = pltpu.async_copy(stds_hbm, stds_v, sem_tab)
    cp_g = pltpu.async_copy(gadj_hbm, gadj_v, sem_tab)
    cp_w = pltpu.async_copy(w_hbm, w_v, sem_tab)
    cp_m.wait()
    cp_s.wait()
    cp_g.wait()
    cp_w.wait()

    @plsc.parallel_loop(0, AGE_BINS)
    def tab_body(b):
        ws = [w_v[pl.ds(j * 16, 16)] for j in range(NCH)]
        gw0s = [gadj_v[0, pl.ds(j * 16, 16)] * ws[j] for j in range(NCH)]
        gw1s = [gadj_v[1, pl.ds(j * 16, 16)] * ws[j] for j in range(NCH)]
        as_ = [ws[j] / (stds_v[b, pl.ds(j * 16, 16)] + 1e-8)
               for j in range(NCH)]
        mas = [means_v[b, pl.ds(j * 16, 16)] * as_[j] for j in range(NCH)]
        for j in range(NCH):
            sl = pl.ds(j * 16, 16)
            a_v[b, sl] = as_[j]
            c_v[2 * b, sl] = gw0s[j] - mas[j]
            c_v[2 * b + 1, sl] = gw1s[j] - mas[j]

    inv_range = 1.0 / (AGE_MAX - AGE_MIN)
    cp_age.wait()
    cp_gen.wait()

    @plsc.parallel_loop(0, ROWS_PER_W // 16)
    def bin_body(t):
        sl = pl.ds(t * 16, 16)
        ages = age_v[sl].astype(jnp.float32)
        na = jnp.clip((ages - AGE_MIN) * inv_range, 0.0, 1.0)
        bins = (na * (AGE_BINS - 1)).astype(jnp.int32)
        cidx_v[0, sl] = bins * 2 + gen_v[sl]

    iota = lax.iota(jnp.int32, 16)
    zeros16 = jnp.zeros((16,), jnp.int32)

    def cnt_body(t, carry):
        c16 = cidx_v[0, pl.ds(t * 16, 16)]
        rank, last = plsc.scan_count(c16)
        plsc.addupdate_scatter(off_w, [zeros16, c16], rank, mask=last)
        return carry

    def pos_body(t, carry):
        c16 = cidx_v[0, pl.ds(t * 16, 16)]
        rank, last = plsc.scan_count(c16)
        basep = plsc.load_gather(off_w, [zeros16, c16])
        pos = basep + rank - 1
        plsc.store_scatter(perm_v, [zeros16, pos], iota + t * 16)
        plsc.addupdate_scatter(off_w, [zeros16, c16], rank, mask=last)
        return carry

    def seg_body(k, carry):
        ksp = lax.broadcast_in_dim(k, (16,), ())
        lo = plsc.load_gather(off_lo, [zeros16, ksp])[0]
        hi = plsc.load_gather(off_w, [zeros16, ksp])[0]
        b = lax.shift_right_logical(k, 1)
        aks = [a_v[b, pl.ds(j * 16, 16)] for j in range(NCH)]
        cks = [c_v[k, pl.ds(j * 16, 16)] for j in range(NCH)]

        @plsc.parallel_loop(lo, hi)
        def srow(p):
            src = plsc.load_gather(perm_v, [zeros16,
                                            lax.broadcast_in_dim(p, (16,), ())])
            ps = [plsc.load_gather(pred_v, [src, iota + (j * 16)])
                  for j in range(NCH)]
            outs = [ps[j] * aks[j] + cks[j] for j in range(NCH)]
            for j in range(NCH):
                plsc.store_scatter(pred_v, [src, iota + (j * 16)], outs[j])

        return carry

    off_w[0, pl.ds(0, 16)] = zeros16
    off_w[0, pl.ds(16, 16)] = zeros16
    lax.fori_loop(0, ROWS_PER_W // 16, cnt_body, 0)

    v0 = off_w[0, pl.ds(0, 16)]
    v1 = off_w[0, pl.ds(16, 16)]
    c0 = plsc.cumsum(v0)
    c1 = plsc.cumsum(v1) + lax.broadcast_in_dim(c0[15], (16,), ())
    e0 = c0 - v0
    e1 = c1 - v1
    off_lo[0, pl.ds(0, 16)] = e0
    off_lo[0, pl.ds(16, 16)] = e1
    off_w[0, pl.ds(0, 16)] = e0
    off_w[0, pl.ds(16, 16)] = e1

    lax.fori_loop(0, ROWS_PER_W // 16, pos_body, 0)

    cp.wait()
    lax.fori_loop(0, NCOMBO, seg_body, 0)

    pltpu.sync_copy(pred_v, out_hbm.at[pl.ds(base, ROWS_PER_W), :])


@functools.cache
def _build():
    mesh = plsc.VectorSubcoreMesh(
        core_axis_name="c", subcore_axis_name="s",
        num_cores=NC, num_subcores=NS)
    return pl.kernel(
        _body,
        out_type=jax.ShapeDtypeStruct((BATCH, NUM_FACTORS), jnp.float32),
        mesh=mesh,
        compiler_params=pltpu.CompilerParams(needs_layout_passes=False),
        scratch_types=[
            pltpu.VMEM((ROWS_PER_W, NUM_FACTORS), jnp.float32),
            pltpu.VMEM((ROWS_PER_W,), jnp.int32),
            pltpu.VMEM((ROWS_PER_W,), jnp.int32),
            pltpu.VMEM((AGE_BINS, NUM_FACTORS), jnp.float32),
            pltpu.VMEM((AGE_BINS, NUM_FACTORS), jnp.float32),
            pltpu.VMEM((2, NUM_FACTORS), jnp.float32),
            pltpu.VMEM((NUM_FACTORS,), jnp.float32),
            pltpu.VMEM((AGE_BINS, NUM_FACTORS), jnp.float32),
            pltpu.VMEM((2 * AGE_BINS, NUM_FACTORS), jnp.float32),
            pltpu.VMEM((1, ROWS_PER_W), jnp.int32),
            pltpu.VMEM((1, ROWS_PER_W), jnp.int32),
            pltpu.VMEM((1, 32), jnp.int32),
            pltpu.VMEM((1, 32), jnp.int32),
            pltpu.SemaphoreType.DMA,
            pltpu.SemaphoreType.DMA,
            pltpu.SemaphoreType.DMA,
        ],
    )


def kernel(predictions, age, gender, age_means, age_stds, gender_adjustments,
           norm_weights):
    age = age.astype(jnp.int32)
    gender = gender.astype(jnp.int32)
    return _build()(predictions, age, gender, age_means, age_stds,
                    gender_adjustments, norm_weights)

# --- scband reference (transcript-rebuilt; emitter-appended) ---
"""Pipeline reference for scband-clinical-normalization-layer-68685116997692 (READ-ONLY COPY).

The authoritative reference and input builder live on the scoring server;
editing this copy changes nothing except your own understanding.
"""

import jax, jax.numpy as jnp
import numpy as np

NUM_FACTORS = 128
AGE_BINS = 10
BATCH = 16384
AGE_MIN = 5.0
AGE_MAX = 21.0


def setup_inputs(seed: int = 0) -> dict:
    key = jax.random.key(seed)
    k1, k2, k3, k4, k5, k6 = jax.random.split(key, 6)
    predictions = jax.random.normal(k1, (BATCH, NUM_FACTORS), dtype=jnp.float32)
    age = jax.random.randint(k2, (BATCH,), 0, 21, dtype=jnp.int64 if jax.config.jax_enable_x64 else jnp.int32)
    gender = jax.random.randint(k3, (BATCH,), 0, 2, dtype=jnp.int64 if jax.config.jax_enable_x64 else jnp.int32)
    # learned parameters (perturbed from their init for a non-trivial computation)
    age_means = 0.1 * jax.random.normal(k4, (AGE_BINS, NUM_FACTORS), dtype=jnp.float32)
    age_stds = jnp.ones((AGE_BINS, NUM_FACTORS), dtype=jnp.float32) + 0.1 * jax.random.uniform(k5, (AGE_BINS, NUM_FACTORS), dtype=jnp.float32)
    gender_adjustments = 0.1 * jax.random.normal(k6, (2, NUM_FACTORS), dtype=jnp.float32)
    norm_weights = jnp.ones((NUM_FACTORS,), dtype=jnp.float32)
    return {
        "predictions": predictions,
        "age": age,
        "gender": gender,
        "age_means": age_means,
        "age_stds": age_stds,
        "gender_adjustments": gender_adjustments,
        "norm_weights": norm_weights,
    }


def _get_age_bin(age):
    normalized_age = (age.astype(jnp.float32) - AGE_MIN) / (AGE_MAX - AGE_MIN)
    normalized_age = jnp.clip(normalized_age, 0.0, 1.0)
    return (normalized_age * (AGE_BINS - 1)).astype(jnp.int32)


def reference(predictions, age, gender, age_means, age_stds, gender_adjustments, norm_weights):
    age_bins = _get_age_bin(age)
    age_mean = jnp.take(age_means, age_bins, axis=0)
    age_std = jnp.take(age_stds, age_bins, axis=0)
    normalized = (predictions - age_mean) / (age_std + 1e-08)
    gender_adj = jnp.take(gender_adjustments, gender, axis=0)
    normalized = normalized + gender_adj
    normalized = normalized * norm_weights
    return normalized

if __name__ == "__main__":
    import jax
    _d = setup_inputs()
    print(jax.jit(kernel)(*tuple(_d.values())))

</pallas_src>

<mosaic_0001>
#map = affine_map<(d0, d1) -> (0, 0)>
#map1 = affine_map<(d0, d1) -> (0)>
module attributes {stable_mosaic.version = 14 : i64} {
  func.func @_body(%arg0: i32, %arg1: i32, %arg2: memref<16384x128xf32, #tpu.memory_space<hbm>>, %arg3: memref<16384xi32, #tpu.memory_space<hbm>>, %arg4: memref<16384xi32, #tpu.memory_space<hbm>>, %arg5: memref<10x128xf32, #tpu.memory_space<hbm>>, %arg6: memref<10x128xf32, #tpu.memory_space<hbm>>, %arg7: memref<2x128xf32, #tpu.memory_space<hbm>>, %arg8: memref<128xf32, #tpu.memory_space<hbm>>, %arg9: memref<16384x128xf32, #tpu.memory_space<hbm>>, %arg10: memref<512x128xf32, #tpu.memory_space<vmem>>, %arg11: memref<512xi32, #tpu.memory_space<vmem>>, %arg12: memref<512xi32, #tpu.memory_space<vmem>>, %arg13: memref<10x128xf32, #tpu.memory_space<vmem>>, %arg14: memref<10x128xf32, #tpu.memory_space<vmem>>, %arg15: memref<2x128xf32, #tpu.memory_space<vmem>>, %arg16: memref<128xf32, #tpu.memory_space<vmem>>, %arg17: memref<10x128xf32, #tpu.memory_space<vmem>>, %arg18: memref<20x128xf32, #tpu.memory_space<vmem>>, %arg19: memref<1x512xi32, #tpu.memory_space<vmem>>, %arg20: memref<1x512xi32, #tpu.memory_space<vmem>>, %arg21: memref<1x32xi32, #tpu.memory_space<vmem>>, %arg22: memref<1x32xi32, #tpu.memory_space<vmem>>, %arg23: memref<!tpu.dma_semaphore, #tpu.memory_space<semaphore_mem>>, %arg24: memref<!tpu.dma_semaphore, #tpu.memory_space<semaphore_mem>>, %arg25: memref<!tpu.dma_semaphore, #tpu.memory_space<semaphore_mem>>) attributes {dimension_semantics = [#tpu.dimension_semantics<core_parallel>, #tpu.dimension_semantics<subcore_parallel>], iteration_bounds = array<i64: 2, 16>, scalar_prefetch = 0 : i64, scratch_operands = 16 : i64, tpu.core_type = #tpu.core_type<sc_vector_subcore>, window_params = [{transform_indices = #map}, {transform_indices = #map1}, {transform_indices = #map1}, {transform_indices = #map}, {transform_indices = #map}, {transform_indices = #map}, {transform_indices = #map1}, {transform_indices = #map}]} {
    %mul3A = arith.constant 2 : i32
    %mul3A_0 = arith.muli %arg1, %mul3A : i32
    %add3A = arith.addi %mul3A_0, %arg0 : i32
    %mul3A_1 = arith.constant 512 : i32
    %mul3A_2 = arith.muli %add3A, %mul3A_1 : i32
    %dma_start3A = arith.constant 0 : i32
    %dma_start3A_3 = tpu.memref_slice %arg2[%mul3A_2, %dma_start3A] : memref<16384x128xf32, #tpu.memory_space<hbm>> -> memref<512x128xf32, #tpu.memory_space<hbm>>
    %dma_start3A_4 = arith.constant 0 : i32
    %dma_start3A_5 = tpu.memref_slice %arg2[%mul3A_2, %dma_start3A_4] : memref<16384x128xf32, #tpu.memory_space<hbm>> -> memref<512x128xf32, #tpu.memory_space<hbm>>
    tpu.enqueue_dma source(%dma_start3A_5 : memref<512x128xf32, #tpu.memory_space<hbm>>) target(%arg10 : memref<512x128xf32, #tpu.memory_space<vmem>>) target_semaphore(%arg23 : memref<!tpu.dma_semaphore, #tpu.memory_space<semaphore_mem>>)
    %dma_start3A_6 = tpu.memref_slice %arg3[%mul3A_2] : memref<16384xi32, #tpu.memory_space<hbm>> -> memref<512xi32, #tpu.memory_space<hbm>>
    %dma_start3A_7 = tpu.memref_slice %arg3[%mul3A_2] : memref<16384xi32, #tpu.memory_space<hbm>> -> memref<512xi32, #tpu.memory_space<hbm>>
    tpu.enqueue_dma source(%dma_start3A_7 : memref<512xi32, #tpu.memory_space<hbm>>) target(%arg11 : memref<512xi32, #tpu.memory_space<vmem>>) target_semaphore(%arg24 : memref<!tpu.dma_semaphore, #tpu.memory_space<semaphore_mem>>)
    %dma_start3A_8 = tpu.memref_slice %arg4[%mul3A_2] : memref<16384xi32, #tpu.memory_space<hbm>> -> memref<512xi32, #tpu.memory_space<hbm>>
    %dma_start3A_9 = tpu.memref_slice %arg4[%mul3A_2] : memref<16384xi32, #tpu.memory_space<hbm>> -> memref<512xi32, #tpu.memory_space<hbm>>
    tpu.enqueue_dma source(%dma_start3A_9 : memref<512xi32, #tpu.memory_space<hbm>>) target(%arg12 : memref<512xi32, #tpu.memory_space<vmem>>) target_semaphore(%arg24 : memref<!tpu.dma_semaphore, #tpu.memory_space<semaphore_mem>>)
    tpu.enqueue_dma source(%arg5 : memref<10x128xf32, #tpu.memory_space<hbm>>) target(%arg13 : memref<10x128xf32, #tpu.memory_space<vmem>>) target_semaphore(%arg25 : memref<!tpu.dma_semaphore, #tpu.memory_space<semaphore_mem>>)
    tpu.enqueue_dma source(%arg6 : memref<10x128xf32, #tpu.memory_space<hbm>>) target(%arg14 : memref<10x128xf32, #tpu.memory_space<vmem>>) target_semaphore(%arg25 : memref<!tpu.dma_semaphore, #tpu.memory_space<semaphore_mem>>)
    tpu.enqueue_dma source(%arg7 : memref<2x128xf32, #tpu.memory_space<hbm>>) target(%arg15 : memref<2x128xf32, #tpu.memory_space<vmem>>) target_semaphore(%arg25 : memref<!tpu.dma_semaphore, #tpu.memory_space<semaphore_mem>>)
    tpu.enqueue_dma source(%arg8 : memref<128xf32, #tpu.memory_space<hbm>>) target(%arg16 : memref<128xf32, #tpu.memory_space<vmem>>) target_semaphore(%arg25 : memref<!tpu.dma_semaphore, #tpu.memory_space<semaphore_mem>>)
    tpu.wait_dma2 semaphore(%arg25 : memref<!tpu.dma_semaphore, #tpu.memory_space<semaphore_mem>>) src(%arg5 : memref<10x128xf32, #tpu.memory_space<hbm>>) dst(%arg13 : memref<10x128xf32, #tpu.memory_space<vmem>>)
    tpu.wait_dma2 semaphore(%arg25 : memref<!tpu.dma_semaphore, #tpu.memory_space<semaphore_mem>>) src(%arg6 : memref<10x128xf32, #tpu.memory_space<hbm>>) dst(%arg14 : memref<10x128xf32, #tpu.memory_space<vmem>>)
    tpu.wait_dma2 semaphore(%arg25 : memref<!tpu.dma_semaphore, #tpu.memory_space<semaphore_mem>>) src(%arg7 : memref<2x128xf32, #tpu.memory_space<hbm>>) dst(%arg15 : memref<2x128xf32, #tpu.memory_space<vmem>>)
    tpu.wait_dma2 semaphore(%arg25 : memref<!tpu.dma_semaphore, #tpu.memory_space<semaphore_mem>>) src(%arg8 : memref<128xf32, #tpu.memory_space<hbm>>) dst(%arg16 : memref<128xf32, #tpu.memory_space<vmem>>)
    %parallel_loop3A = arith.constant 0 : i32
    %parallel_loop3A_10 = arith.constant 10 : i32
    %parallel_loop3A_11 = arith.constant 1 : i32
    scf.for %parallel_loop3A_78 = %parallel_loop3A to %parallel_loop3A_10 step %parallel_loop3A_11  : i32 {
      %parallel_loop3A_79 = arith.constant 0 : index
      %parallel_loop3A_80 = tpu.vector_load %arg16[%parallel_loop3A_79] {strides = array<i32>} : memref<128xf32, #tpu.memory_space<vmem>>, vector<16xf32>,
      %parallel_loop3A_81 = arith.constant 16 : index
      %parallel_loop3A_82 = tpu.vector_load %arg16[%parallel_loop3A_81] {strides = array<i32>} : memref<128xf32, #tpu.memory_space<vmem>>, vector<16xf32>,
      %parallel_loop3A_83 = arith.constant 32 : index
      %parallel_loop3A_84 = tpu.vector_load %arg16[%parallel_loop3A_83] {strides = array<i32>} : memref<128xf32, #tpu.memory_space<vmem>>, vector<16xf32>,
      %parallel_loop3A_85 = arith.constant 48 : index
      %parallel_loop3A_86 = tpu.vector_load %arg16[%parallel_loop3A_85] {strides = array<i32>} : memref<128xf32, #tpu.memory_space<vmem>>, vector<16xf32>,
      %parallel_loop3A_87 = arith.constant 64 : index
      %parallel_loop3A_88 = tpu.vector_load %arg16[%parallel_loop3A_87] {strides = array<i32>} : memref<128xf32, #tpu.memory_space<vmem>>, vector<16xf32>,
      %parallel_loop3A_89 = arith.constant 80 : index
      %parallel_loop3A_90 = tpu.vector_load %arg16[%parallel_loop3A_89] {strides = array<i32>} : memref<128xf32, #tpu.memory_space<vmem>>, vector<16xf32>,
      %parallel_loop3A_91 = arith.constant 96 : index
      %parallel_loop3A_92 = tpu.vector_load %arg16[%parallel_loop3A_91] {strides = array<i32>} : memref<128xf32, #tpu.memory_space<vmem>>, vector<16xf32>,
      %parallel_loop3A_93 = arith.constant 112 : index
      %parallel_loop3A_94 = tpu.vector_load %arg16[%parallel_loop3A_93] {strides = array<i32>} : memref<128xf32, #tpu.memory_space<vmem>>, vector<16xf32>,
      %parallel_loop3A_95 = arith.constant 0 : i32
      %parallel_loop3A_96 = arith.index_cast %parallel_loop3A_95 : i32 to index
      %parallel_loop3A_97 = arith.constant 0 : index
      %parallel_loop3A_98 = tpu.vector_load %arg15[%parallel_loop3A_96, %parallel_loop3A_97] {strides = array<i32>} : memref<2x128xf32, #tpu.memory_space<vmem>>, vector<16xf32>,
      %parallel_loop3A_99 = arith.mulf %parallel_loop3A_98, %parallel_loop3A_80 : vector<16xf32>
      %parallel_loop3A_100 = arith.constant 0 : i32
      %parallel_loop3A_101 = arith.index_cast %parallel_loop3A_100 : i32 to index
      %parallel_loop3A_102 = arith.constant 16 : index
      %parallel_loop3A_103 = tpu.vector_load %arg15[%parallel_loop3A_101, %parallel_loop3A_102] {strides = array<i32>} : memref<2x128xf32, #tpu.memory_space<vmem>>, vector<16xf32>,
      %parallel_loop3A_104 = arith.mulf %parallel_loop3A_103, %parallel_loop3A_82 : vector<16xf32>
      %parallel_loop3A_105 = arith.constant 0 : i32
      %parallel_loop3A_106 = arith.index_cast %parallel_loop3A_105 : i32 to index
      %parallel_loop3A_107 = arith.constant 32 : index
      %parallel_loop3A_108 = tpu.vector_load %arg15[%parallel_loop3A_106, %parallel_loop3A_107] {strides = array<i32>} : memref<2x128xf32, #tpu.memory_space<vmem>>, vector<16xf32>,
      %parallel_loop3A_109 = arith.mulf %parallel_loop3A_108, %parallel_loop3A_84 : vector<16xf32>
      %parallel_loop3A_110 = arith.constant 0 : i32
      %parallel_loop3A_111 = arith.index_cast %parallel_loop3A_110 : i32 to index
      %parallel_loop3A_112 = arith.constant 48 : index
      %parallel_loop3A_113 = tpu.vector_load %arg15[%parallel_loop3A_111, %parallel_loop3A_112] {strides = array<i32>} : memref<2x128xf32, #tpu.memory_space<vmem>>, vector<16xf32>,
      %parallel_loop3A_114 = arith.mulf %parallel_loop3A_113, %parallel_loop3A_86 : vector<16xf32>
      %parallel_loop3A_115 = arith.constant 0 : i32
      %parallel_loop3A_116 = arith.index_cast %parallel_loop3A_115 : i32 to index
      %parallel_loop3A_117 = arith.constant 64 : index
      %parallel_loop3A_118 = tpu.vector_load %arg15[%parallel_loop3A_116, %parallel_loop3A_117] {strides = array<i32>} : memref<2x128xf32, #tpu.memory_space<vmem>>, vector<16xf32>,
      %parallel_loop3A_119 = arith.mulf %parallel_loop3A_118, %parallel_loop3A_88 : vector<16xf32>
      %parallel_loop3A_120 = arith.constant 0 : i32
      %parallel_loop3A_121 = arith.index_cast %parallel_loop3A_120 : i32 to index
      %parallel_loop3A_122 = arith.constant 80 : index
      %parallel_loop3A_123 = tpu.vector_load %arg15[%parallel_loop3A_121, %parallel_loop3A_122] {strides = array<i32>} : memref<2x128xf32, #tpu.memory_space<vmem>>, vector<16xf32>,
      %parallel_loop3A_124 = arith.mulf %parallel_loop3A_123, %parallel_loop3A_90 : vector<16xf32>
      %parallel_loop3A_125 = arith.constant 0 : i32
      %parallel_loop3A_126 = arith.index_cast %parallel_loop3A_125 : i32 to index
      %parallel_loop3A_127 = arith.constant 96 : index
      %parallel_loop3A_128 = tpu.vector_load %arg15[%parallel_loop3A_126, %parallel_loop3A_127] {strides = array<i32>} : memref<2x128xf32, #tpu.memory_space<vmem>>, vector<16xf32>,
      %parallel_loop3A_129 = arith.mulf %parallel_loop3A_128, %parallel_loop3A_92 : vector<16xf32>
      %parallel_loop3A_130 = arith.constant 0 : i32
      %parallel_loop3A_131 = arith.index_cast %parallel_loop3A_130 : i32 to index
      %parallel_loop3A_132 = arith.constant 112 : index
      %parallel_loop3A_133 = tpu.vector_load %arg15[%parallel_loop3A_131, %parallel_loop3A_132] {strides = array<i32>} : memref<2x128xf32, #tpu.memory_space<vmem>>, vector<16xf32>,
      %parallel_loop3A_134 = arith.mulf %parallel_loop3A_133, %parallel_loop3A_94 : vector<16xf32>
      %parallel_loop3A_135 = arith.constant 1 : i32
      %parallel_loop3A_136 = arith.index_cast %parallel_loop3A_135 : i32 to index
      %parallel_loop3A_137 = arith.constant 0 : index
      %parallel_loop3A_138 = tpu.vector_load %arg15[%parallel_loop3A_136, %parallel_loop3A_137] {strides = array<i32>} : memref<2x128xf32, #tpu.memory_space<vmem>>, vector<16xf32>,
      %parallel_loop3A_139 = arith.mulf %parallel_loop3A_138, %parallel_loop3A_80 : vector<16xf32>
      %parallel_loop3A_140 = arith.constant 1 : i32
      %parallel_loop3A_141 = arith.index_cast %parallel_loop3A_140 : i32 to index
      %parallel_loop3A_142 = arith.constant 16 : index
      %parallel_loop3A_143 = tpu.vector_load %arg15[%parallel_loop3A_141, %parallel_loop3A_142] {strides = array<i32>} : memref<2x128xf32, #tpu.memory_space<vmem>>, vector<16xf32>,
      %parallel_loop3A_144 = arith.mulf %parallel_loop3A_143, %parallel_loop3A_82 : vector<16xf32>
      %parallel_loop3A_145 = arith.constant 1 : i32
      %parallel_loop3A_146 = arith.index_cast %parallel_loop3A_145 : i32 to index
      %parallel_loop3A_147 = arith.constant 32 : index
      %parallel_loop3A_148 = tpu.vector_load %arg15[%parallel_loop3A_146, %parallel_loop3A_147] {strides = array<i32>} : memref<2x128xf32, #tpu.memory_space<vmem>>, vector<16xf32>,
      %parallel_loop3A_149 = arith.mulf %parallel_loop3A_148, %parallel_loop3A_84 : vector<16xf32>
      %parallel_loop3A_150 = arith.constant 1 : i32
      %parallel_loop3A_151 = arith.index_cast %parallel_loop3A_150 : i32 to index
      %parallel_loop3A_152 = arith.constant 48 : index
      %parallel_loop3A_153 = tpu.vector_load %arg15[%parallel_loop3A_151, %parallel_loop3A_152] {strides = array<i32>} : memref<2x128xf32, #tpu.memory_space<vmem>>, vector<16xf32>,
      %parallel_loop3A_154 = arith.mulf %parallel_loop3A_153, %parallel_loop3A_86 : vector<16xf32>
      %parallel_loop3A_155 = arith.constant 1 : i32
      %parallel_loop3A_156 = arith.index_cast %parallel_loop3A_155 : i32 to index
      %parallel_loop3A_157 = arith.constant 64 : index
      %parallel_loop3A_158 = tpu.vector_load %arg15[%parallel_loop3A_156, %parallel_loop3A_157] {strides = array<i32>} : memref<2x128xf32, #tpu.memory_space<vmem>>, vector<16xf32>,
      %parallel_loop3A_159 = arith.mulf %parallel_loop3A_158, %parallel_loop3A_88 : vector<16xf32>
      %parallel_loop3A_160 = arith.constant 1 : i32
      %parallel_loop3A_161 = arith.index_cast %parallel_loop3A_160 : i32 to index
      %parallel_loop3A_162 = arith.constant 80 : index
      %parallel_loop3A_163 = tpu.vector_load %arg15[%parallel_loop3A_161, %parallel_loop3A_162] {strides = array<i32>} : memref<2x128xf32, #tpu.memory_space<vmem>>, vector<16xf32>,
      %parallel_loop3A_164 = arith.mulf %parallel_loop3A_163, %parallel_loop3A_90 : vector<16xf32>
      %parallel_loop3A_165 = arith.constant 1 : i32
      %parallel_loop3A_166 = arith.index_cast %parallel_loop3A_165 : i32 to index
      %parallel_loop3A_167 = arith.constant 96 : index
      %parallel_loop3A_168 = tpu.vector_load %arg15[%parallel_loop3A_166, %parallel_loop3A_167] {strides = array<i32>} : memref<2x128xf32, #tpu.memory_space<vmem>>, vector<16xf32>,
      %parallel_loop3A_169 = arith.mulf %parallel_loop3A_168, %parallel_loop3A_92 : vector<16xf32>
      %parallel_loop3A_170 = arith.constant 1 : i32
      %parallel_loop3A_171 = arith.index_cast %parallel_loop3A_170 : i32 to index
      %parallel_loop3A_172 = arith.constant 112 : index
      %parallel_loop3A_173 = tpu.vector_load %arg15[%parallel_loop3A_171, %parallel_loop3A_172] {strides = array<i32>} : memref<2x128xf32, #tpu.memory_space<vmem>>, vector<16xf32>,
      %parallel_loop3A_174 = arith.mulf %parallel_loop3A_173, %parallel_loop3A_94 : vector<16xf32>
      %parallel_loop3A_175 = arith.index_cast %parallel_loop3A_78 : i32 to index
      %parallel_loop3A_176 = arith.constant 0 : index
      %parallel_loop3A_177 = tpu.vector_load %arg14[%parallel_loop3A_175, %parallel_loop3A_176] {strides = array<i32>} : memref<10x128xf32, #tpu.memory_space<vmem>>, vector<16xf32>,
      %parallel_loop3A_178 = arith.constant 9.99999993E-9 : f32
      %parallel_loop3A_179 = vector.broadcast %parallel_loop3A_178 : f32 to vector<16xf32>
      %parallel_loop3A_180 = arith.addf %parallel_loop3A_177, %parallel_loop3A_179 : vector<16xf32>
      %parallel_loop3A_181 = arith.divf %parallel_loop3A_80, %parallel_loop3A_180 : vector<16xf32>
      %parallel_loop3A_182 = arith.index_cast %parallel_loop3A_78 : i32 to index
      %parallel_loop3A_183 = arith.constant 16 : index
      %parallel_loop3A_184 = tpu.vector_load %arg14[%parallel_loop3A_182, %parallel_loop3A_183] {strides = array<i32>} : memref<10x128xf32, #tpu.memory_space<vmem>>, vector<16xf32>,
      %parallel_loop3A_185 = arith.constant 9.99999993E-9 : f32
      %parallel_loop3A_186 = vector.broadcast %parallel_loop3A_185 : f32 to vector<16xf32>
      %parallel_loop3A_187 = arith.addf %parallel_loop3A_184, %parallel_loop3A_186 : vector<16xf32>
      %parallel_loop3A_188 = arith.divf %parallel_loop3A_82, %parallel_loop3A_187 : vector<16xf32>
      %parallel_loop3A_189 = arith.index_cast %parallel_loop3A_78 : i32 to index
      %parallel_loop3A_190 = arith.constant 32 : index
      %parallel_loop3A_191 = tpu.vector_load %arg14[%parallel_loop3A_189, %parallel_loop3A_190] {strides = array<i32>} : memref<10x128xf32, #tpu.memory_space<vmem>>, vector<16xf32>,
      %parallel_loop3A_192 = arith.constant 9.99999993E-9 : f32
      %parallel_loop3A_193 = vector.broadcast %parallel_loop3A_192 : f32 to vector<16xf32>
      %parallel_loop3A_194 = arith.addf %parallel_loop3A_191, %parallel_loop3A_193 : vector<16xf32>
      %parallel_loop3A_195 = arith.divf %parallel_loop3A_84, %parallel_loop3A_194 : vector<16xf32>
      %parallel_loop3A_196 = arith.index_cast %parallel_loop3A_78 : i32 to index
      %parallel_loop3A_197 = arith.constant 48 : index
      %parallel_loop3A_198 = tpu.vector_load %arg14[%parallel_loop3A_196, %parallel_loop3A_197] {strides = array<i32>} : memref<10x128xf32, #tpu.memory_space<vmem>>, vector<16xf32>,
      %parallel_loop3A_199 = arith.constant 9.99999993E-9 : f32
      %parallel_loop3A_200 = vector.broadcast %parallel_loop3A_199 : f32 to vector<16xf32>
      %parallel_loop3A_201 = arith.addf %parallel_loop3A_198, %parallel_loop3A_200 : vector<16xf32>
      %parallel_loop3A_202 = arith.divf %parallel_loop3A_86, %parallel_loop3A_201 : vector<16xf32>
      %parallel_loop3A_203 = arith.index_cast %parallel_loop3A_78 : i32 to index
      %parallel_loop3A_204 = arith.constant 64 : index
      %parallel_loop3A_205 = tpu.vector_load %arg14[%parallel_loop3A_203, %parallel_loop3A_204] {strides = array<i32>} : memref<10x128xf32, #tpu.memory_space<vmem>>, vector<16xf32>,
      %parallel_loop3A_206 = arith.constant 9.99999993E-9 : f32
      %parallel_loop3A_207 = vector.broadcast %parallel_loop3A_206 : f32 to vector<16xf32>
      %parallel_loop3A_208 = arith.addf %parallel_loop3A_205, %parallel_loop3A_207 : vector<16xf32>
      %parallel_loop3A_209 = arith.divf %parallel_loop3A_88, %parallel_loop3A_208 : vector<16xf32>
      %parallel_loop3A_210 = arith.index_cast %parallel_loop3A_78 : i32 to index
      %parallel_loop3A_211 = arith.constant 80 : index
      %parallel_loop3A_212 = tpu.vector_load %arg14[%parallel_loop3A_210, %parallel_loop3A_211] {strides = array<i32>} : memref<10x128xf32, #tpu.memory_space<vmem>>, vector<16xf32>,
      %parallel_loop3A_213 = arith.constant 9.99999993E-9 : f32
      %parallel_loop3A_214 = vector.broadcast %parallel_loop3A_213 : f32 to vector<16xf32>
      %parallel_loop3A_215 = arith.addf %parallel_loop3A_212, %parallel_loop3A_214 : vector<16xf32>
      %parallel_loop3A_216 = arith.divf %parallel_loop3A_90, %parallel_loop3A_215 : vector<16xf32>
      %parallel_loop3A_217 = arith.index_cast %parallel_loop3A_78 : i32 to index
      %parallel_loop3A_218 = arith.constant 96 : index
      %parallel_loop3A_219 = tpu.vector_load %arg14[%parallel_loop3A_217, %parallel_loop3A_218] {strides = array<i32>} : memref<10x128xf32, #tpu.memory_space<vmem>>, vector<16xf32>,
      %parallel_loop3A_220 = arith.constant 9.99999993E-9 : f32
      %parallel_loop3A_221 = vector.broadcast %parallel_loop3A_220 : f32 to vector<16xf32>
      %parallel_loop3A_222 = arith.addf %parallel_loop3A_219, %parallel_loop3A_221 : vector<16xf32>
      %parallel_loop3A_223 = arith.divf %parallel_loop3A_92, %parallel_loop3A_222 : vector<16xf32>
      %parallel_loop3A_224 = arith.index_cast %parallel_loop3A_78 : i32 to index
      %parallel_loop3A_225 = arith.constant 112 : index
      %parallel_loop3A_226 = tpu.vector_load %arg14[%parallel_loop3A_224, %parallel_loop3A_225] {strides = array<i32>} : memref<10x128xf32, #tpu.memory_space<vmem>>, vector<16xf32>,
      %parallel_loop3A_227 = arith.constant 9.99999993E-9 : f32
      %parallel_loop3A_228 = vector.broadcast %parallel_loop3A_227 : f32 to vector<16xf32>
      %parallel_loop3A_229 = arith.addf %parallel_loop3A_226, %parallel_loop3A_228 : vector<16xf32>
      %parallel_loop3A_230 = arith.divf %parallel_loop3A_94, %parallel_loop3A_229 : vector<16xf32>
      %parallel_loop3A_231 = arith.index_cast %parallel_loop3A_78 : i32 to index
      %parallel_loop3A_232 = arith.constant 0 : index
      %parallel_loop3A_233 = tpu.vector_load %arg13[%parallel_loop3A_231, %parallel_loop3A_232] {strides = array<i32>} : memref<10x128xf32, #tpu.memory_space<vmem>>, vector<16xf32>,
      %parallel_loop3A_234 = arith.mulf %parallel_loop3A_233, %parallel_loop3A_181 : vector<16xf32>
      %parallel_loop3A_235 = arith.index_cast %parallel_loop3A_78 : i32 to index
      %parallel_loop3A_236 = arith.constant 16 : index
      %parallel_loop3A_237 = tpu.vector_load %arg13[%parallel_loop3A_235, %parallel_loop3A_236] {strides = array<i32>} : memref<10x128xf32, #tpu.memory_space<vmem>>, vector<16xf32>,
      %parallel_loop3A_238 = arith.mulf %parallel_loop3A_237, %parallel_loop3A_188 : vector<16xf32>
      %parallel_loop3A_239 = arith.index_cast %parallel_loop3A_78 : i32 to index
      %parallel_loop3A_240 = arith.constant 32 : index
      %parallel_loop3A_241 = tpu.vector_load %arg13[%parallel_loop3A_239, %parallel_loop3A_240] {strides = array<i32>} : memref<10x128xf32, #tpu.memory_space<vmem>>, vector<16xf32>,
      %parallel_loop3A_242 = arith.mulf %parallel_loop3A_241, %parallel_loop3A_195 : vector<16xf32>
      %parallel_loop3A_243 = arith.index_cast %parallel_loop3A_78 : i32 to index
      %parallel_loop3A_244 = arith.constant 48 : index
      %parallel_loop3A_245 = tpu.vector_load %arg13[%parallel_loop3A_243, %parallel_loop3A_244] {strides = array<i32>} : memref<10x128xf32, #tpu.memory_space<vmem>>, vector<16xf32>,
      %parallel_loop3A_246 = arith.mulf %parallel_loop3A_245, %parallel_loop3A_202 : vector<16xf32>
      %parallel_loop3A_247 = arith.index_cast %parallel_loop3A_78 : i32 to index
      %parallel_loop3A_248 = arith.constant 64 : index
      %parallel_loop3A_249 = tpu.vector_load %arg13[%parallel_loop3A_247, %parallel_loop3A_248] {strides = array<i32>} : memref<10x128xf32, #tpu.memory_space<vmem>>, vector<16xf32>,
      %parallel_loop3A_250 = arith.mulf %parallel_loop3A_249, %parallel_loop3A_209 : vector<16xf32>
      %parallel_loop3A_251 = arith.index_cast %parallel_loop3A_78 : i32 to index
      %parallel_loop3A_252 = arith.constant 80 : index
      %parallel_loop3A_253 = tpu.vector_load %arg13[%parallel_loop3A_251, %parallel_loop3A_252] {strides = array<i32>} : memref<10x128xf32, #tpu.memory_space<vmem>>, vector<16xf32>,
      %parallel_loop3A_254 = arith.mulf %parallel_loop3A_253, %parallel_loop3A_216 : vector<16xf32>
      %parallel_loop3A_255 = arith.index_cast %parallel_loop3A_78 : i32 to index
      %parallel_loop3A_256 = arith.constant 96 : index
      %parallel_loop3A_257 = tpu.vector_load %arg13[%parallel_loop3A_255, %parallel_loop3A_256] {strides = array<i32>} : memref<10x128xf32, #tpu.memory_space<vmem>>, vector<16xf32>,
      %parallel_loop3A_258 = arith.mulf %parallel_loop3A_257, %parallel_loop3A_223 : vector<16xf32>
      %parallel_loop3A_259 = arith.index_cast %parallel_loop3A_78 : i32 to index
      %parallel_loop3A_260 = arith.constant 112 : index
      %parallel_loop3A_261 = tpu.vector_load %arg13[%parallel_loop3A_259, %parallel_loop3A_260] {strides = array<i32>} : memref<10x128xf32, #tpu.memory_space<vmem>>, vector<16xf32>,
      %parallel_loop3A_262 = arith.mulf %parallel_loop3A_261, %parallel_loop3A_230 : vector<16xf32>
      %parallel_loop3A_263 = arith.index_cast %parallel_loop3A_78 : i32 to index
      %parallel_loop3A_264 = arith.constant 0 : index
      %parallel_loop3A_265 = tpu.vector_load %arg17[%parallel_loop3A_263, %parallel_loop3A_264] {strides = array<i32>} : memref<10x128xf32, #tpu.memory_space<vmem>>, vector<16xf32>,
      tpu.vector_store %arg17[%parallel_loop3A_263, %parallel_loop3A_264], %parallel_loop3A_181 {strides = array<i32>} : memref<10x128xf32, #tpu.memory_space<vmem>>, vector<16xf32>,
      %parallel_loop3A_266 = arith.subf %parallel_loop3A_99, %parallel_loop3A_234 : vector<16xf32>
      %parallel_loop3A_267 = arith.constant 2 : i32
      %parallel_loop3A_268 = arith.muli %parallel_loop3A_267, %parallel_loop3A_78 : i32
      %parallel_loop3A_269 = arith.index_cast %parallel_loop3A_268 : i32 to index
      %parallel_loop3A_270 = arith.constant 0 : index
      %parallel_loop3A_271 = tpu.vector_load %arg18[%parallel_loop3A_269, %parallel_loop3A_270] {strides = array<i32>} : memref<20x128xf32, #tpu.memory_space<vmem>>, vector<16xf32>,
      tpu.vector_store %arg18[%parallel_loop3A_269, %parallel_loop3A_270], %parallel_loop3A_266 {strides = array<i32>} : memref<20x128xf32, #tpu.memory_space<vmem>>, vector<16xf32>,
      %parallel_loop3A_272 = arith.subf %parallel_loop3A_139, %parallel_loop3A_234 : vector<16xf32>
      %parallel_loop3A_273 = arith.constant 2 : i32
      %parallel_loop3A_274 = arith.muli %parallel_loop3A_273, %parallel_loop3A_78 : i32
      %parallel_loop3A_275 = arith.constant 1 : i32
      %parallel_loop3A_276 = arith.addi %parallel_loop3A_274, %parallel_loop3A_275 : i32
      %parallel_loop3A_277 = arith.index_cast %parallel_loop3A_276 : i32 to index
      %parallel_loop3A_278 = arith.constant 0 : index
      %parallel_loop3A_279 = tpu.vector_load %arg18[%parallel_loop3A_277, %parallel_loop3A_278] {strides = array<i32>} : memref<20x128xf32, #tpu.memory_space<vmem>>, vector<16xf32>,
      tpu.vector_store %arg18[%parallel_loop3A_277, %parallel_loop3A_278], %parallel_loop3A_272 {strides = array<i32>} : memref<20x128xf32, #tpu.memory_space<vmem>>, vector<16xf32>,
      %parallel_loop3A_280 = arith.index_cast %parallel_loop3A_78 : i32 to index
      %parallel_loop3A_281 = arith.constant 16 : index
      %parallel_loop3A_282 = tpu.vector_load %arg17[%parallel_loop3A_280, %parallel_loop3A_281] {strides = array<i32>} : memref<10x128xf32, #tpu.memory_space<vmem>>, vector<16xf32>,
      tpu.vector_store %arg17[%parallel_loop3A_280, %parallel_loop3A_281], %parallel_loop3A_188 {strides = array<i32>} : memref<10x128xf32, #tpu.memory_space<vmem>>, vector<16xf32>,
      %parallel_loop3A_283 = arith.subf %parallel_loop3A_104, %parallel_loop3A_238 : vector<16xf32>
      %parallel_loop3A_284 = arith.constant 2 : i32
      %parallel_loop3A_285 = arith.muli %parallel_loop3A_284, %parallel_loop3A_78 : i32
      %parallel_loop3A_286 = arith.index_cast %parallel_loop3A_285 : i32 to index
      %parallel_loop3A_287 = arith.constant 16 : index
      %parallel_loop3A_288 = tpu.vector_load %arg18[%parallel_loop3A_286, %parallel_loop3A_287] {strides = array<i32>} : memref<20x128xf32, #tpu.memory_space<vmem>>, vector<16xf32>,
      tpu.vector_store %arg18[%parallel_loop3A_286, %parallel_loop3A_287], %parallel_loop3A_283 {strides = array<i32>} : memref<20x128xf32, #tpu.memory_space<vmem>>, vector<16xf32>,
      %parallel_loop3A_289 = arith.subf %parallel_loop3A_144, %parallel_loop3A_238 : vector<16xf32>
      %parallel_loop3A_290 = arith.constant 2 : i32
      %parallel_loop3A_291 = arith.muli %parallel_loop3A_290, %parallel_loop3A_78 : i32
      %parallel_loop3A_292 = arith.constant 1 : i32
      %parallel_loop3A_293 = arith.addi %parallel_loop3A_291, %parallel_loop3A_292 : i32
      %parallel_loop3A_294 = arith.index_cast %parallel_loop3A_293 : i32 to index
      %parallel_loop3A_295 = arith.constant 16 : index
      %parallel_loop3A_296 = tpu.vector_load %arg18[%parallel_loop3A_294, %parallel_loop3A_295] {strides = array<i32>} : memref<20x128xf32, #tpu.memory_space<vmem>>, vector<16xf32>,
      tpu.vector_store %arg18[%parallel_loop3A_294, %parallel_loop3A_295], %parallel_loop3A_289 {strides = array<i32>} : memref<20x128xf32, #tpu.memory_space<vmem>>, vector<16xf32>,
      %parallel_loop3A_297 = arith.index_cast %parallel_loop3A_78 : i32 to index
      %parallel_loop3A_298 = arith.constant 32 : index
      %parallel_loop3A_299 = tpu.vector_load %arg17[%parallel_loop3A_297, %parallel_loop3A_298] {strides = array<i32>} : memref<10x128xf32, #tpu.memory_space<vmem>>, vector<16xf32>,
      tpu.vector_store %arg17[%parallel_loop3A_297, %parallel_loop3A_298], %parallel_loop3A_195 {strides = array<i32>} : memref<10x128xf32, #tpu.memory_space<vmem>>, vector<16xf32>,
      %parallel_loop3A_300 = arith.subf %parallel_loop3A_109, %parallel_loop3A_242 : vector<16xf32>
      %parallel_loop3A_301 = arith.constant 2 : i32
      %parallel_loop3A_302 = arith.muli %parallel_loop3A_301, %parallel_loop3A_78 : i32
      %parallel_loop3A_303 = arith.index_cast %parallel_loop3A_302 : i32 to index
      %parallel_loop3A_304 = arith.constant 32 : index
      %parallel_loop3A_305 = tpu.vector_load %arg18[%parallel_loop3A_303, %parallel_loop3A_304] {strides = array<i32>} : memref<20x128xf32, #tpu.memory_space<vmem>>, vector<16xf32>,
      tpu.vector_store %arg18[%parallel_loop3A_303, %parallel_loop3A_304], %parallel_loop3A_300 {strides = array<i32>} : memref<20x128xf32, #tpu.memory_space<vmem>>, vector<16xf32>,
      %parallel_loop3A_306 = arith.subf %parallel_loop3A_149, %parallel_loop3A_242 : vector<16xf32>
      %parallel_loop3A_307 = arith.constant 2 : i32
      %parallel_loop3A_308 = arith.muli %parallel_loop3A_307, %parallel_loop3A_78 : i32
      %parallel_loop3A_309 = arith.constant 1 : i32
      %parallel_loop3A_310 = arith.addi %parallel_loop3A_308, %parallel_loop3A_309 : i32
      %parallel_loop3A_311 = arith.index_cast %parallel_loop3A_310 : i32 to index
      %parallel_loop3A_312 = arith.constant 32 : index
      %parallel_loop3A_313 = tpu.vector_load %arg18[%parallel_loop3A_311, %parallel_loop3A_312] {strides = array<i32>} : memref<20x128xf32, #tpu.memory_space<vmem>>, vector<16xf32>,
      tpu.vector_store %arg18[%parallel_loop3A_311, %parallel_loop3A_312], %parallel_loop3A_306 {strides = array<i32>} : memref<20x128xf32, #tpu.memory_space<vmem>>, vector<16xf32>,
      %parallel_loop3A_314 = arith.index_cast %parallel_loop3A_78 : i32 to index
      %parallel_loop3A_315 = arith.constant 48 : index
      %parallel_loop3A_316 = tpu.vector_load %arg17[%parallel_loop3A_314, %parallel_loop3A_315] {strides = array<i32>} : memref<10x128xf32, #tpu.memory_space<vmem>>, vector<16xf32>,
      tpu.vector_store %arg17[%parallel_loop3A_314, %parallel_loop3A_315], %parallel_loop3A_202 {strides = array<i32>} : memref<10x128xf32, #tpu.memory_space<vmem>>, vector<16xf32>,
      %parallel_loop3A_317 = arith.subf %parallel_loop3A_114, %parallel_loop3A_246 : vector<16xf32>
      %parallel_loop3A_318 = arith.constant 2 : i32
      %parallel_loop3A_319 = arith.muli %parallel_loop3A_318, %parallel_loop3A_78 : i32
      %parallel_loop3A_320 = arith.index_cast %parallel_loop3A_319 : i32 to index
      %parallel_loop3A_321 = arith.constant 48 : index
      %parallel_loop3A_322 = tpu.vector_load %arg18[%parallel_loop3A_320, %parallel_loop3A_321] {strides = array<i32>} : memref<20x128xf32, #tpu.memory_space<vmem>>, vector<16xf32>,
      tpu.vector_store %arg18[%parallel_loop3A_320, %parallel_loop3A_321], %parallel_loop3A_317 {strides = array<i32>} : memref<20x128xf32, #tpu.memory_space<vmem>>, vector<16xf32>,
      %parallel_loop3A_323 = arith.subf %parallel_loop3A_154, %parallel_loop3A_246 : vector<16xf32>
      %parallel_loop3A_324 = arith.constant 2 : i32
      %parallel_loop3A_325 = arith.muli %parallel_loop3A_324, %parallel_loop3A_78 : i32
      %parallel_loop3A_326 = arith.constant 1 : i32
      %parallel_loop3A_327 = arith.addi %parallel_loop3A_325, %parallel_loop3A_326 : i32
      %parallel_loop3A_328 = arith.index_cast %parallel_loop3A_327 : i32 to index
      %parallel_loop3A_329 = arith.constant 48 : index
      %parallel_loop3A_330 = tpu.vector_load %arg18[%parallel_loop3A_328, %parallel_loop3A_329] {strides = array<i32>} : memref<20x128xf32, #tpu.memory_space<vmem>>, vector<16xf32>,
      tpu.vector_store %arg18[%parallel_loop3A_328, %parallel_loop3A_329], %parallel_loop3A_323 {strides = array<i32>} : memref<20x128xf32, #tpu.memory_space<vmem>>, vector<16xf32>,
      %parallel_loop3A_331 = arith.index_cast %parallel_loop3A_78 : i32 to index
      %parallel_loop3A_332 = arith.constant 64 : index
      %parallel_loop3A_333 = tpu.vector_load %arg17[%parallel_loop3A_331, %parallel_loop3A_332] {strides = array<i32>} : memref<10x128xf32, #tpu.memory_space<vmem>>, vector<16xf32>,
      tpu.vector_store %arg17[%parallel_loop3A_331, %parallel_loop3A_332], %parallel_loop3A_209 {strides = array<i32>} : memref<10x128xf32, #tpu.memory_space<vmem>>, vector<16xf32>,
      %parallel_loop3A_334 = arith.subf %parallel_loop3A_119, %parallel_loop3A_250 : vector<16xf32>
      %parallel_loop3A_335 = arith.constant 2 : i32
      %parallel_loop3A_336 = arith.muli %parallel_loop3A_335, %parallel_loop3A_78 : i32
      %parallel_loop3A_337 = arith.index_cast %parallel_loop3A_336 : i32 to index
      %parallel_loop3A_338 = arith.constant 64 : index
      %parallel_loop3A_339 = tpu.vector_load %arg18[%parallel_loop3A_337, %parallel_loop3A_338] {strides = array<i32>} : memref<20x128xf32, #tpu.memory_space<vmem>>, vector<16xf32>,
      tpu.vector_store %arg18[%parallel_loop3A_337, %parallel_loop3A_338], %parallel_loop3A_334 {strides = array<i32>} : memref<20x128xf32, #tpu.memory_space<vmem>>, vector<16xf32>,
      %parallel_loop3A_340 = arith.subf %parallel_loop3A_159, %parallel_loop3A_250 : vector<16xf32>
      %parallel_loop3A_341 = arith.constant 2 : i32
      %parallel_loop3A_342 = arith.muli %parallel_loop3A_341, %parallel_loop3A_78 : i32
      %parallel_loop3A_343 = arith.constant 1 : i32
      %parallel_loop3A_344 = arith.addi %parallel_loop3A_342, %parallel_loop3A_343 : i32
      %parallel_loop3A_345 = arith.index_cast %parallel_loop3A_344 : i32 to index
      %parallel_loop3A_346 = arith.constant 64 : index
      %parallel_loop3A_347 = tpu.vector_load %arg18[%parallel_loop3A_345, %parallel_loop3A_346] {strides = array<i32>} : memref<20x128xf32, #tpu.memory_space<vmem>>, vector<16xf32>,
      tpu.vector_store %arg18[%parallel_loop3A_345, %parallel_loop3A_346], %parallel_loop3A_340 {strides = array<i32>} : memref<20x128xf32, #tpu.memory_space<vmem>>, vector<16xf32>,
      %parallel_loop3A_348 = arith.index_cast %parallel_loop3A_78 : i32 to index
      %parallel_loop3A_349 = arith.constant 80 : index
      %parallel_loop3A_350 = tpu.vector_load %arg17[%parallel_loop3A_348, %parallel_loop3A_349] {strides = array<i32>} : memref<10x128xf32, #tpu.memory_space<vmem>>, vector<16xf32>,
      tpu.vector_store %arg17[%parallel_loop3A_348, %parallel_loop3A_349], %parallel_loop3A_216 {strides = array<i32>} : memref<10x128xf32, #tpu.memory_space<vmem>>, vector<16xf32>,
      %parallel_loop3A_351 = arith.subf %parallel_loop3A_124, %parallel_loop3A_254 : vector<16xf32>
      %parallel_loop3A_352 = arith.constant 2 : i32
      %parallel_loop3A_353 = arith.muli %parallel_loop3A_352, %parallel_loop3A_78 : i32
      %parallel_loop3A_354 = arith.index_cast %parallel_loop3A_353 : i32 to index
      %parallel_loop3A_355 = arith.constant 80 : index
      %parallel_loop3A_356 = tpu.vector_load %arg18[%parallel_loop3A_354, %parallel_loop3A_355] {strides = array<i32>} : memref<20x128xf32, #tpu.memory_space<vmem>>, vector<16xf32>,
      tpu.vector_store %arg18[%parallel_loop3A_354, %parallel_loop3A_355], %parallel_loop3A_351 {strides = array<i32>} : memref<20x128xf32, #tpu.memory_space<vmem>>, vector<16xf32>,
      %parallel_loop3A_357 = arith.subf %parallel_loop3A_164, %parallel_loop3A_254 : vector<16xf32>
      %parallel_loop3A_358 = arith.constant 2 : i32
      %parallel_loop3A_359 = arith.muli %parallel_loop3A_358, %parallel_loop3A_78 : i32
      %parallel_loop3A_360 = arith.constant 1 : i32
      %parallel_loop3A_361 = arith.addi %parallel_loop3A_359, %parallel_loop3A_360 : i32
      %parallel_loop3A_362 = arith.index_cast %parallel_loop3A_361 : i32 to index
      %parallel_loop3A_363 = arith.constant 80 : index
      %parallel_loop3A_364 = tpu.vector_load %arg18[%parallel_loop3A_362, %parallel_loop3A_363] {strides = array<i32>} : memref<20x128xf32, #tpu.memory_space<vmem>>, vector<16xf32>,
      tpu.vector_store %arg18[%parallel_loop3A_362, %parallel_loop3A_363], %parallel_loop3A_357 {strides = array<i32>} : memref<20x128xf32, #tpu.memory_space<vmem>>, vector<16xf32>,
      %parallel_loop3A_365 = arith.index_cast %parallel_loop3A_78 : i32 to index
      %parallel_loop3A_366 = arith.constant 96 : index
      %parallel_loop3A_367 = tpu.vector_load %arg17[%parallel_loop3A_365, %parallel_loop3A_366] {strides = array<i32>} : memref<10x128xf32, #tpu.memory_space<vmem>>, vector<16xf32>,
      tpu.vector_store %arg17[%parallel_loop3A_365, %parallel_loop3A_366], %parallel_loop3A_223 {strides = array<i32>} : memref<10x128xf32, #tpu.memory_space<vmem>>, vector<16xf32>,
      %parallel_loop3A_368 = arith.subf %parallel_loop3A_129, %parallel_loop3A_258 : vector<16xf32>
      %parallel_loop3A_369 = arith.constant 2 : i32
      %parallel_loop3A_370 = arith.muli %parallel_loop3A_369, %parallel_loop3A_78 : i32
      %parallel_loop3A_371 = arith.index_cast %parallel_loop3A_370 : i32 to index
      %parallel_loop3A_372 = arith.constant 96 : index
      %parallel_loop3A_373 = tpu.vector_load %arg18[%parallel_loop3A_371, %parallel_loop3A_372] {strides = array<i32>} : memref<20x128xf32, #tpu.memory_space<vmem>>, vector<16xf32>,
      tpu.vector_store %arg18[%parallel_loop3A_371, %parallel_loop3A_372], %parallel_loop3A_368 {strides = array<i32>} : memref<20x128xf32, #tpu.memory_space<vmem>>, vector<16xf32>,
      %parallel_loop3A_374 = arith.subf %parallel_loop3A_169, %parallel_loop3A_258 : vector<16xf32>
      %parallel_loop3A_375 = arith.constant 2 : i32
      %parallel_loop3A_376 = arith.muli %parallel_loop3A_375, %parallel_loop3A_78 : i32
      %parallel_loop3A_377 = arith.constant 1 : i32
      %parallel_loop3A_378 = arith.addi %parallel_loop3A_376, %parallel_loop3A_377 : i32
      %parallel_loop3A_379 = arith.index_cast %parallel_loop3A_378 : i32 to index
      %parallel_loop3A_380 = arith.constant 96 : index
      %parallel_loop3A_381 = tpu.vector_load %arg18[%parallel_loop3A_379, %parallel_loop3A_380] {strides = array<i32>} : memref<20x128xf32, #tpu.memory_space<vmem>>, vector<16xf32>,
      tpu.vector_store %arg18[%parallel_loop3A_379, %parallel_loop3A_380], %parallel_loop3A_374 {strides = array<i32>} : memref<20x128xf32, #tpu.memory_space<vmem>>, vector<16xf32>,
      %parallel_loop3A_382 = arith.index_cast %parallel_loop3A_78 : i32 to index
      %parallel_loop3A_383 = arith.constant 112 : index
      %parallel_loop3A_384 = tpu.vector_load %arg17[%parallel_loop3A_382, %parallel_loop3A_383] {strides = array<i32>} : memref<10x128xf32, #tpu.memory_space<vmem>>, vector<16xf32>,
      tpu.vector_store %arg17[%parallel_loop3A_382, %parallel_loop3A_383], %parallel_loop3A_230 {strides = array<i32>} : memref<10x128xf32, #tpu.memory_space<vmem>>, vector<16xf32>,
      %parallel_loop3A_385 = arith.subf %parallel_loop3A_134, %parallel_loop3A_262 : vector<16xf32>
      %parallel_loop3A_386 = arith.constant 2 : i32
      %parallel_loop3A_387 = arith.muli %parallel_loop3A_386, %parallel_loop3A_78 : i32
      %parallel_loop3A_388 = arith.index_cast %parallel_loop3A_387 : i32 to index
      %parallel_loop3A_389 = arith.constant 112 : index
      %parallel_loop3A_390 = tpu.vector_load %arg18[%parallel_loop3A_388, %parallel_loop3A_389] {strides = array<i32>} : memref<20x128xf32, #tpu.memory_space<vmem>>, vector<16xf32>,
      tpu.vector_store %arg18[%parallel_loop3A_388, %parallel_loop3A_389], %parallel_loop3A_385 {strides = array<i32>} : memref<20x128xf32, #tpu.memory_space<vmem>>, vector<16xf32>,
      %parallel_loop3A_391 = arith.subf %parallel_loop3A_174, %parallel_loop3A_262 : vector<16xf32>
      %parallel_loop3A_392 = arith.constant 2 : i32
      %parallel_loop3A_393 = arith.muli %parallel_loop3A_392, %parallel_loop3A_78 : i32
      %parallel_loop3A_394 = arith.constant 1 : i32
      %parallel_loop3A_395 = arith.addi %parallel_loop3A_393, %parallel_loop3A_394 : i32
      %parallel_loop3A_396 = arith.index_cast %parallel_loop3A_395 : i32 to index
      %parallel_loop3A_397 = arith.constant 112 : index
      %parallel_loop3A_398 = tpu.vector_load %arg18[%parallel_loop3A_396, %parallel_loop3A_397] {strides = array<i32>} : memref<20x128xf32, #tpu.memory_space<vmem>>, vector<16xf32>,
      tpu.vector_store %arg18[%parallel_loop3A_396, %parallel_loop3A_397], %parallel_loop3A_391 {strides = array<i32>} : memref<20x128xf32, #tpu.memory_space<vmem>>, vector<16xf32>,
    } {sc.loop_unroll_factor = 1 : i64, sc.parallel_access}
    %dma_wait3A = tpu.memref_slice %arg3[%mul3A_2] : memref<16384xi32, #tpu.memory_space<hbm>> -> memref<512xi32, #tpu.memory_space<hbm>>
    %dma_wait3A_12 = tpu.memref_slice %arg3[%mul3A_2] : memref<16384xi32, #tpu.memory_space<hbm>> -> memref<512xi32, #tpu.memory_space<hbm>>
    tpu.wait_dma2 semaphore(%arg24 : memref<!tpu.dma_semaphore, #tpu.memory_space<semaphore_mem>>) src(%dma_wait3A_12 : memref<512xi32, #tpu.memory_space<hbm>>) dst(%arg11 : memref<512xi32, #tpu.memory_space<vmem>>)
    %dma_wait3A_13 = tpu.memref_slice %arg4[%mul3A_2] : memref<16384xi32, #tpu.memory_space<hbm>> -> memref<512xi32, #tpu.memory_space<hbm>>
    %dma_wait3A_14 = tpu.memref_slice %arg4[%mul3A_2] : memref<16384xi32, #tpu.memory_space<hbm>> -> memref<512xi32, #tpu.memory_space<hbm>>
    tpu.wait_dma2 semaphore(%arg24 : memref<!tpu.dma_semaphore, #tpu.memory_space<semaphore_mem>>) src(%dma_wait3A_14 : memref<512xi32, #tpu.memory_space<hbm>>) dst(%arg12 : memref<512xi32, #tpu.memory_space<vmem>>)
    %parallel_loop3A_15 = arith.constant 0 : i32
    %parallel_loop3A_16 = arith.constant 32 : i32
    %parallel_loop3A_17 = arith.constant 1 : i32
    scf.for %parallel_loop3A_78 = %parallel_loop3A_15 to %parallel_loop3A_16 step %parallel_loop3A_17  : i32 {
      %parallel_loop3A_79 = arith.constant 16 : i32
      %parallel_loop3A_80 = arith.muli %parallel_loop3A_78, %parallel_loop3A_79 : i32
      %parallel_loop3A_81 = arith.index_cast %parallel_loop3A_80 : i32 to index
      %parallel_loop3A_82 = tpu.vector_load %arg11[%parallel_loop3A_81] {strides = array<i32>} : memref<512xi32, #tpu.memory_space<vmem>>, vector<16xi32>,
      %parallel_loop3A_83 = arith.sitofp %parallel_loop3A_82 : vector<16xi32> to vector<16xf32>
      %parallel_loop3A_84 = arith.constant 5.000000e+00 : f32
      %parallel_loop3A_85 = vector.broadcast %parallel_loop3A_84 : f32 to vector<16xf32>
      %parallel_loop3A_86 = arith.subf %parallel_loop3A_83, %parallel_loop3A_85 : vector<16xf32>
      %parallel_loop3A_87 = arith.constant 6.250000e-02 : f32
      %parallel_loop3A_88 = vector.broadcast %parallel_loop3A_87 : f32 to vector<16xf32>
      %parallel_loop3A_89 = arith.mulf %parallel_loop3A_86, %parallel_loop3A_88 : vector<16xf32>
      %parallel_loop3A_90 = arith.constant 0.000000e+00 : f32
      %parallel_loop3A_91 = arith.constant 1.000000e+00 : f32
      %parallel_loop3A_92 = vector.broadcast %parallel_loop3A_90 : f32 to vector<16xf32>
      %parallel_loop3A_93 = arith.maximumf %parallel_loop3A_92, %parallel_loop3A_89 : vector<16xf32>
      %parallel_loop3A_94 = vector.broadcast %parallel_loop3A_91 : f32 to vector<16xf32>
      %parallel_loop3A_95 = arith.minimumf %parallel_loop3A_94, %parallel_loop3A_93 : vector<16xf32>
      %parallel_loop3A_96 = arith.constant 9.000000e+00 : f32
      %parallel_loop3A_97 = vector.broadcast %parallel_loop3A_96 : f32 to vector<16xf32>
      %parallel_loop3A_98 = arith.mulf %parallel_loop3A_95, %parallel_loop3A_97 : vector<16xf32>
      %parallel_loop3A_99 = arith.fptosi %parallel_loop3A_98 : vector<16xf32> to vector<16xi32>
      %parallel_loop3A_100 = arith.constant 2 : i32
      %parallel_loop3A_101 = vector.broadcast %parallel_loop3A_100 : i32 to vector<16xi32>
      %parallel_loop3A_102 = arith.muli %parallel_loop3A_99, %parallel_loop3A_101 : vector<16xi32>
      %parallel_loop3A_103 = arith.index_cast %parallel_loop3A_80 : i32 to index
      %parallel_loop3A_104 = tpu.vector_load %arg12[%parallel_loop3A_103] {strides = array<i32>} : memref<512xi32, #tpu.memory_space<vmem>>, vector<16xi32>,
      %parallel_loop3A_105 = arith.addi %parallel_loop3A_102, %parallel_loop3A_104 : vector<16xi32>
      %parallel_loop3A_106 = arith.constant 0 : i32
      %parallel_loop3A_107 = arith.index_cast %parallel_loop3A_106 : i32 to index
      %parallel_loop3A_108 = arith.index_cast %parallel_loop3A_80 : i32 to index
      %parallel_loop3A_109 = tpu.vector_load %arg19[%parallel_loop3A_107, %parallel_loop3A_108] {strides = array<i32>} : memref<1x512xi32, #tpu.memory_space<vmem>>, vector<16xi32>,
      tpu.vector_store %arg19[%parallel_loop3A_107, %parallel_loop3A_108], %parallel_loop3A_105 {strides = array<i32>} : memref<1x512xi32, #tpu.memory_space<vmem>>, vector<16xi32>,
    } {sc.loop_unroll_factor = 1 : i64, sc.parallel_access}
    %iota3A = tpu.iota {dimensions = array<i32: 0>} : vector<16xi32>
    %broadcast_in_dim3A = arith.constant 0 : i32
    %broadcast_in_dim3A_18 = vector.broadcast %broadcast_in_dim3A : i32 to vector<16xi32>
    %swap3A = arith.constant 0 : i32
    %swap3A_19 = arith.index_cast %swap3A : i32 to index
    %swap3A_20 = arith.constant 0 : index
    %swap3A_21 = tpu.vector_load %arg22[%swap3A_19, %swap3A_20] {strides = array<i32>} : memref<1x32xi32, #tpu.memory_space<vmem>>, vector<16xi32>,
    tpu.vector_store %arg22[%swap3A_19, %swap3A_20], %broadcast_in_dim3A_18 {strides = array<i32>} : memref<1x32xi32, #tpu.memory_space<vmem>>, vector<16xi32>,
    %swap3A_22 = arith.constant 0 : i32
    %swap3A_23 = arith.index_cast %swap3A_22 : i32 to index
    %swap3A_24 = arith.constant 16 : index
    %swap3A_25 = tpu.vector_load %arg22[%swap3A_23, %swap3A_24] {strides = array<i32>} : memref<1x32xi32, #tpu.memory_space<vmem>>, vector<16xi32>,
    tpu.vector_store %arg22[%swap3A_23, %swap3A_24], %broadcast_in_dim3A_18 {strides = array<i32>} : memref<1x32xi32, #tpu.memory_space<vmem>>, vector<16xi32>,
    %scan3A = arith.constant 0 : i32
    %scan3A_26 = arith.constant 0 : i32
    %scan3A_27 = arith.constant 32 : i32
    %scan3A_28 = arith.addi %scan3A_26, %scan3A_27 : i32
    %scan3A_29 = arith.constant 1 : i32
    scf.for %scan3A_78 = %scan3A_26 to %scan3A_28 step %scan3A_29  : i32 {
      %mul3A_79 = arith.constant 16 : i32
      %mul3A_80 = arith.muli %scan3A_78, %mul3A_79 : i32
      %get3A_81 = arith.constant 0 : i32
      %get3A_82 = arith.index_cast %get3A_81 : i32 to index
      %get3A_83 = arith.index_cast %mul3A_80 : i32 to index
      %get3A_84 = tpu.vector_load %arg19[%get3A_82, %get3A_83] {strides = array<i32>} : memref<1x512xi32, #tpu.memory_space<vmem>>, vector<16xi32>,
      %broadcast_in_dim3A_85 = arith.constant true
      %broadcast_in_dim3A_86 = vector.broadcast %broadcast_in_dim3A_85 : i1 to vector<16xi1>
      %unique3A, %unique3A_87 = tpu.scan_count mask(%broadcast_in_dim3A_86 : vector<16xi1>) value(%get3A_84 : vector<16xi32>) : vector<16xi1>, vector<16xi32>
      tpu.vector_store_idx %arg22[%broadcast_in_dim3A_18, %get3A_84], %unique3A_87 masked %unique3A {add = true} : memref<1x32xi32, #tpu.memory_space<vmem>>[vector<16xi32>, vector<16xi32>], vector<16xi32>, vector<16xi1>
    }
    %scan3A_30 = arith.constant 32 : i32
    %get3A = arith.constant 0 : i32
    %get3A_31 = arith.index_cast %get3A : i32 to index
    %get3A_32 = arith.constant 0 : index
    %get3A_33 = tpu.vector_load %arg22[%get3A_31, %get3A_32] {strides = array<i32>} : memref<1x32xi32, #tpu.memory_space<vmem>>, vector<16xi32>,
    %get3A_34 = arith.constant 0 : i32
    %get3A_35 = arith.index_cast %get3A_34 : i32 to index
    %get3A_36 = arith.constant 16 : index
    %get3A_37 = tpu.vector_load %arg22[%get3A_35, %get3A_36] {strides = array<i32>} : memref<1x32xi32, #tpu.memory_space<vmem>>, vector<16xi32>,
    %broadcast_in_dim3A_38 = arith.constant true
    %broadcast_in_dim3A_39 = vector.broadcast %broadcast_in_dim3A_38 : i1 to vector<16xi1>
    %masked_cumsum3A = tpu.scan <sum>, %get3A_33 masked %broadcast_in_dim3A_39 : vector<16xi32>, vector<16xi1> -> vector<16xi32>
    %broadcast_in_dim3A_40 = arith.constant true
    %broadcast_in_dim3A_41 = vector.broadcast %broadcast_in_dim3A_40 : i1 to vector<16xi1>
    %masked_cumsum3A_42 = tpu.scan <sum>, %get3A_37 masked %broadcast_in_dim3A_41 : vector<16xi32>, vector<16xi1> -> vector<16xi32>
    %slice3A = vector.extract_strided_slice %masked_cumsum3A {offsets = [15], sizes = [1], strides = [1]} : vector<16xi32> to vector<1xi32>
    %squeeze3A = vector.extract %slice3A[0] : i32 from vector<1xi32>
    %broadcast_in_dim3A_43 = vector.broadcast %squeeze3A : i32 to vector<16xi32>
    %add3A_44 = arith.addi %masked_cumsum3A_42, %broadcast_in_dim3A_43 : vector<16xi32>
    %sub3A = arith.subi %masked_cumsum3A, %get3A_33 : vector<16xi32>
    %sub3A_45 = arith.subi %add3A_44, %get3A_37 : vector<16xi32>
    %swap3A_46 = arith.constant 0 : i32
    %swap3A_47 = arith.index_cast %swap3A_46 : i32 to index
    %swap3A_48 = arith.constant 0 : index
    %swap3A_49 = tpu.vector_load %arg21[%swap3A_47, %swap3A_48] {strides = array<i32>} : memref<1x32xi32, #tpu.memory_space<vmem>>, vector<16xi32>,
    tpu.vector_store %arg21[%swap3A_47, %swap3A_48], %sub3A {strides = array<i32>} : memref<1x32xi32, #tpu.memory_space<vmem>>, vector<16xi32>,
    %swap3A_50 = arith.constant 0 : i32
    %swap3A_51 = arith.index_cast %swap3A_50 : i32 to index
    %swap3A_52 = arith.constant 16 : index
    %swap3A_53 = tpu.vector_load %arg21[%swap3A_51, %swap3A_52] {strides = array<i32>} : memref<1x32xi32, #tpu.memory_space<vmem>>, vector<16xi32>,
    tpu.vector_store %arg21[%swap3A_51, %swap3A_52], %sub3A_45 {strides = array<i32>} : memref<1x32xi32, #tpu.memory_space<vmem>>, vector<16xi32>,
    %swap3A_54 = arith.constant 0 : i32
    %swap3A_55 = arith.index_cast %swap3A_54 : i32 to index
    %swap3A_56 = arith.constant 0 : index
    %swap3A_57 = tpu.vector_load %arg22[%swap3A_55, %swap3A_56] {strides = array<i32>} : memref<1x32xi32, #tpu.memory_space<vmem>>, vector<16xi32>,
    tpu.vector_store %arg22[%swap3A_55, %swap3A_56], %sub3A {strides = array<i32>} : memref<1x32xi32, #tpu.memory_space<vmem>>, vector<16xi32>,
    %swap3A_58 = arith.constant 0 : i32
    %swap3A_59 = arith.index_cast %swap3A_58 : i32 to index
    %swap3A_60 = arith.constant 16 : index
    %swap3A_61 = tpu.vector_load %arg22[%swap3A_59, %swap3A_60] {strides = array<i32>} : memref<1x32xi32, #tpu.memory_space<vmem>>, vector<16xi32>,
    tpu.vector_store %arg22[%swap3A_59, %swap3A_60], %sub3A_45 {strides = array<i32>} : memref<1x32xi32, #tpu.memory_space<vmem>>, vector<16xi32>,
    %scan3A_62 = arith.constant 0 : i32
    %scan3A_63 = arith.constant 0 : i32
    %scan3A_64 = arith.constant 32 : i32
    %scan3A_65 = arith.addi %scan3A_63, %scan3A_64 : i32
    %scan3A_66 = arith.constant 1 : i32
    scf.for %scan3A_78 = %scan3A_63 to %scan3A_65 step %scan3A_66  : i32 {
      %mul3A_79 = arith.constant 16 : i32
      %mul3A_80 = arith.muli %scan3A_78, %mul3A_79 : i32
      %get3A_81 = arith.constant 0 : i32
      %get3A_82 = arith.index_cast %get3A_81 : i32 to index
      %get3A_83 = arith.index_cast %mul3A_80 : i32 to index
      %get3A_84 = tpu.vector_load %arg19[%get3A_82, %get3A_83] {strides = array<i32>} : memref<1x512xi32, #tpu.memory_space<vmem>>, vector<16xi32>,
      %broadcast_in_dim3A_85 = arith.constant true
      %broadcast_in_dim3A_86 = vector.broadcast %broadcast_in_dim3A_85 : i1 to vector<16xi1>
      %unique3A, %unique3A_87 = tpu.scan_count mask(%broadcast_in_dim3A_86 : vector<16xi1>) value(%get3A_84 : vector<16xi32>) : vector<16xi1>, vector<16xi32>
      %gather3A = tpu.vector_load_idx %arg22[%broadcast_in_dim3A_18, %get3A_84] : memref<1x32xi32, #tpu.memory_space<vmem>>[vector<16xi32>, vector<16xi32>], vector<16xi32>,
      %add3A_88 = arith.addi %gather3A, %unique3A_87 : vector<16xi32>
      %sub3A_89 = arith.constant 1 : i32
      %sub3A_90 = vector.broadcast %sub3A_89 : i32 to vector<16xi32>
      %sub3A_91 = arith.subi %add3A_88, %sub3A_90 : vector<16xi32>
      %mul3A_92 = arith.constant 16 : i32
      %mul3A_93 = arith.muli %scan3A_78, %mul3A_92 : i32
      %add3A_94 = vector.broadcast %mul3A_93 : i32 to vector<16xi32>
      %add3A_95 = arith.addi %iota3A, %add3A_94 : vector<16xi32>
      tpu.vector_store_idx %arg20[%broadcast_in_dim3A_18, %sub3A_91], %add3A_95 : memref<1x512xi32, #tpu.memory_space<vmem>>[vector<16xi32>, vector<16xi32>], vector<16xi32>,
      tpu.vector_store_idx %arg22[%broadcast_in_dim3A_18, %get3A_84], %unique3A_87 masked %unique3A {add = true} : memref<1x32xi32, #tpu.memory_space<vmem>>[vector<16xi32>, vector<16xi32>], vector<16xi32>, vector<16xi1>
    }
    %scan3A_67 = arith.constant 32 : i32
    %dma_wait3A_68 = arith.constant 0 : i32
    %dma_wait3A_69 = tpu.memref_slice %arg2[%mul3A_2, %dma_wait3A_68] : memref<16384x128xf32, #tpu.memory_space<hbm>> -> memref<512x128xf32, #tpu.memory_space<hbm>>
    %dma_wait3A_70 = arith.constant 0 : i32
    %dma_wait3A_71 = tpu.memref_slice %arg2[%mul3A_2, %dma_wait3A_70] : memref<16384x128xf32, #tpu.memory_space<hbm>> -> memref<512x128xf32, #tpu.memory_space<hbm>>
    tpu.wait_dma2 semaphore(%arg23 : memref<!tpu.dma_semaphore, #tpu.memory_space<semaphore_mem>>) src(%dma_wait3A_71 : memref<512x128xf32, #tpu.memory_space<hbm>>) dst(%arg10 : memref<512x128xf32, #tpu.memory_space<vmem>>)
    %scan3A_72 = arith.constant 0 : i32
    %scan3A_73 = arith.constant 0 : i32
    %scan3A_74 = arith.constant 20 : i32
    %scan3A_75 = arith.addi %scan3A_73, %scan3A_74 : i32
    %scan3A_76 = arith.constant 1 : i32
    scf.for %scan3A_78 = %scan3A_73 to %scan3A_75 step %scan3A_76  : i32 {
      %broadcast_in_dim3A_79 = vector.broadcast %scan3A_78 : i32 to vector<16xi32>
      %gather3A = tpu.vector_load_idx %arg21[%broadcast_in_dim3A_18, %broadcast_in_dim3A_79] : memref<1x32xi32, #tpu.memory_space<vmem>>[vector<16xi32>, vector<16xi32>], vector<16xi32>,
      %slice3A_80 = vector.extract_strided_slice %gather3A {offsets = [0], sizes = [1], strides = [1]} : vector<16xi32> to vector<1xi32>
      %squeeze3A_81 = vector.extract %slice3A_80[0] : i32 from vector<1xi32>
      %gather3A_82 = tpu.vector_load_idx %arg22[%broadcast_in_dim3A_18, %broadcast_in_dim3A_79] : memref<1x32xi32, #tpu.memory_space<vmem>>[vector<16xi32>, vector<16xi32>], vector<16xi32>,
      %slice3A_83 = vector.extract_strided_slice %gather3A_82 {offsets = [0], sizes = [1], strides = [1]} : vector<16xi32> to vector<1xi32>
      %squeeze3A_84 = vector.extract %slice3A_83[0] : i32 from vector<1xi32>
      %shift_right_logical3A = arith.constant 1 : i32
      %shift_right_logical3A_85 = arith.shrui %scan3A_78, %shift_right_logical3A : i32
      %get3A_86 = arith.index_cast %shift_right_logical3A_85 : i32 to index
      %get3A_87 = arith.constant 0 : index
      %get3A_88 = tpu.vector_load %arg17[%get3A_86, %get3A_87] {strides = array<i32>} : memref<10x128xf32, #tpu.memory_space<vmem>>, vector<16xf32>,
      %get3A_89 = arith.index_cast %shift_right_logical3A_85 : i32 to index
      %get3A_90 = arith.constant 16 : index
      %get3A_91 = tpu.vector_load %arg17[%get3A_89, %get3A_90] {strides = array<i32>} : memref<10x128xf32, #tpu.memory_space<vmem>>, vector<16xf32>,
      %get3A_92 = arith.index_cast %shift_right_logical3A_85 : i32 to index
      %get3A_93 = arith.constant 32 : index
      %get3A_94 = tpu.vector_load %arg17[%get3A_92, %get3A_93] {strides = array<i32>} : memref<10x128xf32, #tpu.memory_space<vmem>>, vector<16xf32>,
      %get3A_95 = arith.index_cast %shift_right_logical3A_85 : i32 to index
      %get3A_96 = arith.constant 48 : index
      %get3A_97 = tpu.vector_load %arg17[%get3A_95, %get3A_96] {strides = array<i32>} : memref<10x128xf32, #tpu.memory_space<vmem>>, vector<16xf32>,
      %get3A_98 = arith.index_cast %shift_right_logical3A_85 : i32 to index
      %get3A_99 = arith.constant 64 : index
      %get3A_100 = tpu.vector_load %arg17[%get3A_98, %get3A_99] {strides = array<i32>} : memref<10x128xf32, #tpu.memory_space<vmem>>, vector<16xf32>,
      %get3A_101 = arith.index_cast %shift_right_logical3A_85 : i32 to index
      %get3A_102 = arith.constant 80 : index
      %get3A_103 = tpu.vector_load %arg17[%get3A_101, %get3A_102] {strides = array<i32>} : memref<10x128xf32, #tpu.memory_space<vmem>>, vector<16xf32>,
      %get3A_104 = arith.index_cast %shift_right_logical3A_85 : i32 to index
      %get3A_105 = arith.constant 96 : index
      %get3A_106 = tpu.vector_load %arg17[%get3A_104, %get3A_105] {strides = array<i32>} : memref<10x128xf32, #tpu.memory_space<vmem>>, vector<16xf32>,
      %get3A_107 = arith.index_cast %shift_right_logical3A_85 : i32 to index
      %get3A_108 = arith.constant 112 : index
      %get3A_109 = tpu.vector_load %arg17[%get3A_107, %get3A_108] {strides = array<i32>} : memref<10x128xf32, #tpu.memory_space<vmem>>, vector<16xf32>,
      %get3A_110 = arith.index_cast %scan3A_78 : i32 to index
      %get3A_111 = arith.constant 0 : index
      %get3A_112 = tpu.vector_load %arg18[%get3A_110, %get3A_111] {strides = array<i32>} : memref<20x128xf32, #tpu.memory_space<vmem>>, vector<16xf32>,
      %get3A_113 = arith.index_cast %scan3A_78 : i32 to index
      %get3A_114 = arith.constant 16 : index
      %get3A_115 = tpu.vector_load %arg18[%get3A_113, %get3A_114] {strides = array<i32>} : memref<20x128xf32, #tpu.memory_space<vmem>>, vector<16xf32>,
      %get3A_116 = arith.index_cast %scan3A_78 : i32 to index
      %get3A_117 = arith.constant 32 : index
      %get3A_118 = tpu.vector_load %arg18[%get3A_116, %get3A_117] {strides = array<i32>} : memref<20x128xf32, #tpu.memory_space<vmem>>, vector<16xf32>,
      %get3A_119 = arith.index_cast %scan3A_78 : i32 to index
      %get3A_120 = arith.constant 48 : index
      %get3A_121 = tpu.vector_load %arg18[%get3A_119, %get3A_120] {strides = array<i32>} : memref<20x128xf32, #tpu.memory_space<vmem>>, vector<16xf32>,
      %get3A_122 = arith.index_cast %scan3A_78 : i32 to index
      %get3A_123 = arith.constant 64 : index
      %get3A_124 = tpu.vector_load %arg18[%get3A_122, %get3A_123] {strides = array<i32>} : memref<20x128xf32, #tpu.memory_space<vmem>>, vector<16xf32>,
      %get3A_125 = arith.index_cast %scan3A_78 : i32 to index
      %get3A_126 = arith.constant 80 : index
      %get3A_127 = tpu.vector_load %arg18[%get3A_125, %get3A_126] {strides = array<i32>} : memref<20x128xf32, #tpu.memory_space<vmem>>, vector<16xf32>,
      %get3A_128 = arith.index_cast %scan3A_78 : i32 to index
      %get3A_129 = arith.constant 96 : index
      %get3A_130 = tpu.vector_load %arg18[%get3A_128, %get3A_129] {strides = array<i32>} : memref<20x128xf32, #tpu.memory_space<vmem>>, vector<16xf32>,
      %get3A_131 = arith.index_cast %scan3A_78 : i32 to index
      %get3A_132 = arith.constant 112 : index
      %get3A_133 = tpu.vector_load %arg18[%get3A_131, %get3A_132] {strides = array<i32>} : memref<20x128xf32, #tpu.memory_space<vmem>>, vector<16xf32>,
      %parallel_loop3A_134 = arith.constant 1 : i32
      scf.for %parallel_loop3A_135 = %squeeze3A_81 to %squeeze3A_84 step %parallel_loop3A_134  : i32 {
        %parallel_loop3A_136 = vector.broadcast %parallel_loop3A_135 : i32 to vector<16xi32>
        %parallel_loop3A_137 = tpu.vector_load_idx %arg20[%broadcast_in_dim3A_18, %parallel_loop3A_136] : memref<1x512xi32, #tpu.memory_space<vmem>>[vector<16xi32>, vector<16xi32>], vector<16xi32>,
        %parallel_loop3A_138 = arith.constant 0 : i32
        %parallel_loop3A_139 = vector.broadcast %parallel_loop3A_138 : i32 to vector<16xi32>
        %parallel_loop3A_140 = arith.addi %iota3A, %parallel_loop3A_139 : vector<16xi32>
        %parallel_loop3A_141 = tpu.vector_load_idx %arg10[%parallel_loop3A_137, %parallel_loop3A_140] : memref<512x128xf32, #tpu.memory_space<vmem>>[vector<16xi32>, vector<16xi32>], vector<16xf32>,
        %parallel_loop3A_142 = arith.constant 16 : i32
        %parallel_loop3A_143 = vector.broadcast %parallel_loop3A_142 : i32 to vector<16xi32>
        %parallel_loop3A_144 = arith.addi %iota3A, %parallel_loop3A_143 : vector<16xi32>
        %parallel_loop3A_145 = tpu.vector_load_idx %arg10[%parallel_loop3A_137, %parallel_loop3A_144] : memref<512x128xf32, #tpu.memory_space<vmem>>[vector<16xi32>, vector<16xi32>], vector<16xf32>,
        %parallel_loop3A_146 = arith.constant 32 : i32
        %parallel_loop3A_147 = vector.broadcast %parallel_loop3A_146 : i32 to vector<16xi32>
        %parallel_loop3A_148 = arith.addi %iota3A, %parallel_loop3A_147 : vector<16xi32>
        %parallel_loop3A_149 = tpu.vector_load_idx %arg10[%parallel_loop3A_137, %parallel_loop3A_148] : memref<512x128xf32, #tpu.memory_space<vmem>>[vector<16xi32>, vector<16xi32>], vector<16xf32>,
        %parallel_loop3A_150 = arith.constant 48 : i32
        %parallel_loop3A_151 = vector.broadcast %parallel_loop3A_150 : i32 to vector<16xi32>
        %parallel_loop3A_152 = arith.addi %iota3A, %parallel_loop3A_151 : vector<16xi32>
        %parallel_loop3A_153 = tpu.vector_load_idx %arg10[%parallel_loop3A_137, %parallel_loop3A_152] : memref<512x128xf32, #tpu.memory_space<vmem>>[vector<16xi32>, vector<16xi32>], vector<16xf32>,
        %parallel_loop3A_154 = arith.constant 64 : i32
        %parallel_loop3A_155 = vector.broadcast %parallel_loop3A_154 : i32 to vector<16xi32>
        %parallel_loop3A_156 = arith.addi %iota3A, %parallel_loop3A_155 : vector<16xi32>
        %parallel_loop3A_157 = tpu.vector_load_idx %arg10[%parallel_loop3A_137, %parallel_loop3A_156] : memref<512x128xf32, #tpu.memory_space<vmem>>[vector<16xi32>, vector<16xi32>], vector<16xf32>,
        %parallel_loop3A_158 = arith.constant 80 : i32
        %parallel_loop3A_159 = vector.broadcast %parallel_loop3A_158 : i32 to vector<16xi32>
        %parallel_loop3A_160 = arith.addi %iota3A, %parallel_loop3A_159 : vector<16xi32>
        %parallel_loop3A_161 = tpu.vector_load_idx %arg10[%parallel_loop3A_137, %parallel_loop3A_160] : memref<512x128xf32, #tpu.memory_space<vmem>>[vector<16xi32>, vector<16xi32>], vector<16xf32>,
        %parallel_loop3A_162 = arith.constant 96 : i32
        %parallel_loop3A_163 = vector.broadcast %parallel_loop3A_162 : i32 to vector<16xi32>
        %parallel_loop3A_164 = arith.addi %iota3A, %parallel_loop3A_163 : vector<16xi32>
        %parallel_loop3A_165 = tpu.vector_load_idx %arg10[%parallel_loop3A_137, %parallel_loop3A_164] : memref<512x128xf32, #tpu.memory_space<vmem>>[vector<16xi32>, vector<16xi32>], vector<16xf32>,
        %parallel_loop3A_166 = arith.constant 112 : i32
        %parallel_loop3A_167 = vector.broadcast %parallel_loop3A_166 : i32 to vector<16xi32>
        %parallel_loop3A_168 = arith.addi %iota3A, %parallel_loop3A_167 : vector<16xi32>
        %parallel_loop3A_169 = tpu.vector_load_idx %arg10[%parallel_loop3A_137, %parallel_loop3A_168] : memref<512x128xf32, #tpu.memory_space<vmem>>[vector<16xi32>, vector<16xi32>], vector<16xf32>,
        %parallel_loop3A_170 = arith.mulf %parallel_loop3A_141, %get3A_88 : vector<16xf32>
        %parallel_loop3A_171 = arith.addf %parallel_loop3A_170, %get3A_112 : vector<16xf32>
        %parallel_loop3A_172 = arith.mulf %parallel_loop3A_145, %get3A_91 : vector<16xf32>
        %parallel_loop3A_173 = arith.addf %parallel_loop3A_172, %get3A_115 : vector<16xf32>
        %parallel_loop3A_174 = arith.mulf %parallel_loop3A_149, %get3A_94 : vector<16xf32>
        %parallel_loop3A_175 = arith.addf %parallel_loop3A_174, %get3A_118 : vector<16xf32>
        %parallel_loop3A_176 = arith.mulf %parallel_loop3A_153, %get3A_97 : vector<16xf32>
        %parallel_loop3A_177 = arith.addf %parallel_loop3A_176, %get3A_121 : vector<16xf32>
        %parallel_loop3A_178 = arith.mulf %parallel_loop3A_157, %get3A_100 : vector<16xf32>
        %parallel_loop3A_179 = arith.addf %parallel_loop3A_178, %get3A_124 : vector<16xf32>
        %parallel_loop3A_180 = arith.mulf %parallel_loop3A_161, %get3A_103 : vector<16xf32>
        %parallel_loop3A_181 = arith.addf %parallel_loop3A_180, %get3A_127 : vector<16xf32>
        %parallel_loop3A_182 = arith.mulf %parallel_loop3A_165, %get3A_106 : vector<16xf32>
        %parallel_loop3A_183 = arith.addf %parallel_loop3A_182, %get3A_130 : vector<16xf32>
        %parallel_loop3A_184 = arith.mulf %parallel_loop3A_169, %get3A_109 : vector<16xf32>
        %parallel_loop3A_185 = arith.addf %parallel_loop3A_184, %get3A_133 : vector<16xf32>
        %parallel_loop3A_186 = arith.constant 0 : i32
        %parallel_loop3A_187 = vector.broadcast %parallel_loop3A_186 : i32 to vector<16xi32>
        %parallel_loop3A_188 = arith.addi %iota3A, %parallel_loop3A_187 : vector<16xi32>
        tpu.vector_store_idx %arg10[%parallel_loop3A_137, %parallel_loop3A_188], %parallel_loop3A_171 : memref<512x128xf32, #tpu.memory_space<vmem>>[vector<16xi32>, vector<16xi32>], vector<16xf32>,
        %parallel_loop3A_189 = arith.constant 16 : i32
        %parallel_loop3A_190 = vector.broadcast %parallel_loop3A_189 : i32 to vector<16xi32>
        %parallel_loop3A_191 = arith.addi %iota3A, %parallel_loop3A_190 : vector<16xi32>
        tpu.vector_store_idx %arg10[%parallel_loop3A_137, %parallel_loop3A_191], %parallel_loop3A_173 : memref<512x128xf32, #tpu.memory_space<vmem>>[vector<16xi32>, vector<16xi32>], vector<16xf32>,
        %parallel_loop3A_192 = arith.constant 32 : i32
        %parallel_loop3A_193 = vector.broadcast %parallel_loop3A_192 : i32 to vector<16xi32>
        %parallel_loop3A_194 = arith.addi %iota3A, %parallel_loop3A_193 : vector<16xi32>
        tpu.vector_store_idx %arg10[%parallel_loop3A_137, %parallel_loop3A_194], %parallel_loop3A_175 : memref<512x128xf32, #tpu.memory_space<vmem>>[vector<16xi32>, vector<16xi32>], vector<16xf32>,
        %parallel_loop3A_195 = arith.constant 48 : i32
        %parallel_loop3A_196 = vector.broadcast %parallel_loop3A_195 : i32 to vector<16xi32>
        %parallel_loop3A_197 = arith.addi %iota3A, %parallel_loop3A_196 : vector<16xi32>
        tpu.vector_store_idx %arg10[%parallel_loop3A_137, %parallel_loop3A_197], %parallel_loop3A_177 : memref<512x128xf32, #tpu.memory_space<vmem>>[vector<16xi32>, vector<16xi32>], vector<16xf32>,
        %parallel_loop3A_198 = arith.constant 64 : i32
        %parallel_loop3A_199 = vector.broadcast %parallel_loop3A_198 : i32 to vector<16xi32>
        %parallel_loop3A_200 = arith.addi %iota3A, %parallel_loop3A_199 : vector<16xi32>
        tpu.vector_store_idx %arg10[%parallel_loop3A_137, %parallel_loop3A_200], %parallel_loop3A_179 : memref<512x128xf32, #tpu.memory_space<vmem>>[vector<16xi32>, vector<16xi32>], vector<16xf32>,
        %parallel_loop3A_201 = arith.constant 80 : i32
        %parallel_loop3A_202 = vector.broadcast %parallel_loop3A_201 : i32 to vector<16xi32>
        %parallel_loop3A_203 = arith.addi %iota3A, %parallel_loop3A_202 : vector<16xi32>
        tpu.vector_store_idx %arg10[%parallel_loop3A_137, %parallel_loop3A_203], %parallel_loop3A_181 : memref<512x128xf32, #tpu.memory_space<vmem>>[vector<16xi32>, vector<16xi32>], vector<16xf32>,
        %parallel_loop3A_204 = arith.constant 96 : i32
        %parallel_loop3A_205 = vector.broadcast %parallel_loop3A_204 : i32 to vector<16xi32>
        %parallel_loop3A_206 = arith.addi %iota3A, %parallel_loop3A_205 : vector<16xi32>
        tpu.vector_store_idx %arg10[%parallel_loop3A_137, %parallel_loop3A_206], %parallel_loop3A_183 : memref<512x128xf32, #tpu.memory_space<vmem>>[vector<16xi32>, vector<16xi32>], vector<16xf32>,
        %parallel_loop3A_207 = arith.constant 112 : i32
        %parallel_loop3A_208 = vector.broadcast %parallel_loop3A_207 : i32 to vector<16xi32>
        %parallel_loop3A_209 = arith.addi %iota3A, %parallel_loop3A_208 : vector<16xi32>
        tpu.vector_store_idx %arg10[%parallel_loop3A_137, %parallel_loop3A_209], %parallel_loop3A_185 : memref<512x128xf32, #tpu.memory_space<vmem>>[vector<16xi32>, vector<16xi32>], vector<16xf32>,
      } {sc.loop_unroll_factor = 1 : i64, sc.parallel_access}
    }
    %scan3A_77 = arith.constant 20 : i32
    "tpu.region"() ({
      %run_scoped3A = tpu.sem_alloc : memref<!tpu.dma_semaphore, #tpu.memory_space<semaphore_mem>>
      %dma_start3A_78 = arith.constant 0 : i32
      %dma_start3A_79 = tpu.memref_slice %arg9[%mul3A_2, %dma_start3A_78] : memref<16384x128xf32, #tpu.memory_space<hbm>> -> memref<512x128xf32, #tpu.memory_space<hbm>>
      %dma_start3A_80 = arith.constant 0 : i32
      %dma_start3A_81 = tpu.memref_slice %arg9[%mul3A_2, %dma_start3A_80] : memref<16384x128xf32, #tpu.memory_space<hbm>> -> memref<512x128xf32, #tpu.memory_space<hbm>>
      tpu.enqueue_dma source(%arg10 : memref<512x128xf32, #tpu.memory_space<vmem>>) target(%dma_start3A_81 : memref<512x128xf32, #tpu.memory_space<hbm>>) target_semaphore(%run_scoped3A : memref<!tpu.dma_semaphore, #tpu.memory_space<semaphore_mem>>)
      %dma_wait3A_82 = arith.constant 0 : i32
      %dma_wait3A_83 = tpu.memref_slice %arg9[%mul3A_2, %dma_wait3A_82] : memref<16384x128xf32, #tpu.memory_space<hbm>> -> memref<512x128xf32, #tpu.memory_space<hbm>>
      %dma_wait3A_84 = arith.constant 0 : i32
      %dma_wait3A_85 = tpu.memref_slice %arg9[%mul3A_2, %dma_wait3A_84] : memref<16384x128xf32, #tpu.memory_space<hbm>> -> memref<512x128xf32, #tpu.memory_space<hbm>>
      tpu.wait_dma2 semaphore(%run_scoped3A : memref<!tpu.dma_semaphore, #tpu.memory_space<semaphore_mem>>) src(%arg10 : memref<512x128xf32, #tpu.memory_space<vmem>>) dst(%dma_wait3A_85 : memref<512x128xf32, #tpu.memory_space<hbm>>)
      tpu.yield
    }) : () -> ()
    return
  }
}

</mosaic_0001>

<sc_bundles>
// kernel: kernel.3.cloned.1.call-start
scs
__scs_entry_jumppad:
0x0: {  	(pc) =	sbr.rel $0x88, $3  }
0x1: {  	(tag) =	ssettag $0x0;
	lr =	simm.s32 $0x1  }
0x2: {  	[smem:$0x3F9A] =	sst lr;
	_ =	strace $0xD0000000  }
0x3: {  	_ = 	snop  }
0x4: {  	_ = 	snop  }
0x5: {  	_ = 	snop  }
0x6: {  	_ = 	snop  }
0x7: {  	_ = 	snop  }
__scs_overlays_trampoline_lowered:
0x8: {  	[smem:$0x3FA9] =	sst s0  }
0x9: {  	[smem:$0x3FAA] =	sst s1  }
0xa: {  	[smem:$0x3FAB] =	sst s2  }
0xb: {  	[smem:$0x3FAC] =	sst s3  }
0xc: {  	[smem:$0x3FAD] =	sst s4  }
0xd: {  	[smem:$0x3FAE] =	sst s5  }
0xe: {  	[smem:$0x3FAF] =	sst s6  }
0xf: {  	[smem:$0x3FB0] =	sst s7  }
0x10: {  	[smem:$0x3FB1] =	sst s8  }
0x11: {  	[smem:$0x3FB2] =	sst s9;
	s0 =	simm.s32 @!p0 $0x0  }
0x12: {  	s1 =	sld [smem:$0x3F98];
	s0 =	simm.s32 @p0 $0x1  }
0x13: {  	[smem:$0x3FB3] =	sst s0;
	s0 =	simm.s32 @!p1 $0x0  }
0x14: {  	s2 =	sld [smem:$0x3F97];
	s0 =	simm.s32 @p1 $0x1  }
0x15: {  	[smem:$0x3FB4] =	sst s0;
	s0 =	simm.s32 @!p2 $0x0  }
0x16: {  	s3 =	sld [smem:$0x3FDB];
	s0 =	simm.s32 @p2 $0x1  }
0x17: {  	s4 =	simm.s32 $0x1BF5;
	[smem:$0x3FB6] =	sst s0  }
0x18: {  	s0 =	sld [smem:$0x3F99];
	_ =	swait.ge [sflag:s4], $0x0  }
0x19: {  	s7 =	sld [smem:$0x3F9A]  }
0x1a: {  	s8 =	sadd.s32 $0xFFFFE003, lr  }
0x1b: {  	s9 =	sadd.s32 $0xFFFFFEF7, lr;
	s5 =	simm.s32 $0xFFFFFFFF;
	p2 =	slt.u32 s8, $0xFFFFF086  }
0x1c: {  	p1 =	slt.u32 s9, $0xF7A;
	s5 =	simm.s32 @!p2 $0x0  }
0x1d: {  	s5 =	simm.s32 @p1 $0x1;
	p0 =	seq.s32 s7, s2  }
0x1e: {  	s7 =	smul.u32 @!p0 $0xF7A, s2;
	p2 =	seq.s32 @!p0 s5, $0x0  }
0x1f: {  	s9 =	smul.u32 $0xF7A, s1;
	s8 =	simm.s32 @!p0 $0x1BF5;
	p2 =	por !p2, p0  }
0x20: {  	[sflag:s8] =	ssyncset.s32 @!p0 $0xFFFFF086;
	s6 =	sadd.s32 @!p0 s3, s7;
	s7 =	simm.s32 @!p0 $0x108  }
0x21: {  	s3 =	sadd.s32 s3, s9;
	s6 =	sadd.s32 @!p0 $0x88, s6;
	s7 =	simm.s32 @p2 $0x1082  }
0x22: {  	[simem:s7], [sflag:s8] =	dma.local @!p0 [hbm:s6], $0xF7A  }
0x23: {  	s9 =	sor.u32 $0xD0000000, s2;
	s6 =	simm.s32 $0x108;
	_ =	swait.ge @!p0 [sflag:s8], $0x0  }
0x24: {  	s3 =	sadd.s32 $0x88, s3;
	s6 =	simm.s32 @!p1 $0x1082;
	[sflag:s4] =	ssyncset.s32 $0xFFFFF086  }
0x25: {  	[simem:s6], [sflag:s4] =	dma.local [hbm:s3], $0xF7A  }
0x26: {  	[smem:$0x3F9A] =	sst s1;
	(tag) =	ssettag s2;
	_ =	strace s9  }
0x27: {  	s1 =	sld [smem:$0x3FAA]  }
0x28: {  	s2 =	sld [smem:$0x3FAB]  }
0x29: {  	s4 =	sld [smem:$0x3FAD]  }
0x2a: {  	p0 =	seq.s32 s5, $0x0;
	s5 =	sld [smem:$0x3FAE]  }
0x2b: {  	s6 =	sld [smem:$0x3FAF]  }
0x2c: {  	s7 =	sld [smem:$0x3FB0]  }
0x2d: {  	s3 =	simm.s32 $0x108;
	s8 =	sld [smem:$0x3FB1]  }
0x2e: {  	s3 =	simm.s32 @!p0 $0x1082;
	s9 =	sld [smem:$0x3FB2]  }
0x2f: {  	lr =	sadd.s32 s0, s3;
	s0 =	sld [smem:$0x3FA9]  }
0x30: {  	s3 =	sld [smem:$0x3FAC]  }
0x31: {  	[smem:$0x3FB5] =	sst s10  }
0x32: {  	s10 =	sld [smem:$0x3FB3];
	_ =	sdelay $0x3  }
0x33: {  	p0 =	seq.s32 s10, $0x1;
	s10 =	sld [smem:$0x3FB5];
	_ =	sdelay $0x3  }
0x34: {  	[smem:$0x3FB5] =	sst s10  }
0x35: {  	s10 =	sld [smem:$0x3FB4];
	_ =	sdelay $0x3  }
0x36: {  	p1 =	seq.s32 s10, $0x1;
	s10 =	sld [smem:$0x3FB5];
	_ =	sdelay $0x3  }
0x37: {  	[smem:$0x3FB5] =	sst s10  }
0x38: {  	s10 =	sld [smem:$0x3FB6]  }
0x39: {  	_ = 	snop;
	(pc) =	sbr.ind lr, $3  }
0x3a: {  	_ = 	snop  }
0x3b: {  	_ = 	snop  }
0x3c: {  	p2 =	seq.s32 s10, $0x1;
	s10 =	sld [smem:$0x3FB5]  }
0x3d: {  	_ =	shalt  }
0x3e: {  	_ =	shalt  }
0x3f: {  	_ =	shalt  }
0x40: {  	_ =	shalt  }
0x41: {  	_ =	shalt  }
0x42: {  	_ =	shalt  }
0x43: {  	_ =	shalt  }
0x44: {  	_ =	shalt  }
0x45: {  	_ =	shalt  }
0x46: {  	_ =	shalt  }
0x47: {  	_ =	shalt  }
0x48: {  	_ =	shalt  }
0x49: {  	_ =	shalt  }
0x4a: {  	_ =	shalt  }
0x4b: {  	_ =	shalt  }
0x4c: {  	_ =	shalt  }
0x4d: {  	_ =	shalt  }
0x4e: {  	_ =	shalt  }
0x4f: {  	_ =	shalt  }
0x50: {  	_ =	shalt  }
0x51: {  	_ =	shalt  }
0x52: {  	_ =	shalt  }
0x53: {  	_ =	shalt  }
0x54: {  	_ =	shalt  }
0x55: {  	_ =	shalt  }
0x56: {  	_ =	shalt  }
0x57: {  	_ =	shalt  }
0x58: {  	_ =	shalt  }
0x59: {  	_ =	shalt  }
0x5a: {  	_ =	shalt  }
0x5b: {  	_ =	shalt  }
0x5c: {  	_ =	shalt  }
0x5d: {  	_ =	shalt  }
0x5e: {  	_ =	shalt  }
0x5f: {  	_ =	shalt  }
0x60: {  	_ =	shalt  }
0x61: {  	_ =	shalt  }
0x62: {  	_ =	shalt  }
0x63: {  	_ =	shalt  }
0x64: {  	_ =	shalt  }
0x65: {  	_ =	shalt  }
0x66: {  	_ =	shalt  }
0x67: {  	_ =	shalt  }
0x68: {  	_ =	shalt  }
0x69: {  	_ =	shalt  }
0x6a: {  	_ =	shalt  }
0x6b: {  	_ =	shalt  }
0x6c: {  	_ =	shalt  }
0x6d: {  	_ =	shalt  }
0x6e: {  	_ =	shalt  }
0x6f: {  	_ =	shalt  }
0x70: {  	_ =	shalt  }
0x71: {  	_ =	shalt  }
0x72: {  	_ =	shalt  }
0x73: {  	_ =	shalt  }
0x74: {  	_ =	shalt  }
0x75: {  	_ =	shalt  }
0x76: {  	_ =	shalt  }
0x77: {  	_ =	shalt  }
0x78: {  	_ =	shalt  }
0x79: {  	_ =	shalt  }
0x7a: {  	_ =	shalt  }
0x7b: {  	_ =	shalt  }
0x7c: {  	_ =	shalt  }
0x7d: {  	_ =	shalt  }
0x7e: {  	_ =	shalt  }
0x7f: {  	_ =	shalt  }
0x80: {  	_ =	shalt  }
0x81: {  	_ =	shalt  }
0x82: {  	_ =	shalt  }
0x83: {  	_ =	shalt  }
0x84: {  	_ =	shalt  }
0x85: {  	_ =	shalt  }
0x86: {  	_ =	shalt  }
0x87: {  	_ =	shalt  }
.Lfunc_end0:
.L_simem_size_0:
called_computation_lowered:
.L_overlay_start_0:
0x88: {  	s2 =	sld [smem:$0x3FD9]  }
0x89: {  	s3 =	sld [smem:$0x3FFE];
	_ =	sdelay $0x1  }
0x8a: {  	s1 =	srdreg.scid  }
0x8b: {  	s0 =	sand.u32 $0x1, s1  }
0x8c: {  	s18 =	sshll.u32 s0, $0xA;
	s2 =	sadd.s32 s3, s2  }
0x8d: {  	s2 =	sadd.s32 s2, s18  }
0x8e: {  	[smem:$0x3FC1] =	sst s2  }
0x8f: {  	_ = 	snop  }
0x90: {  	s2 =	sld [smem:$0x3FC9]  }
0x91: {  	s19 =	sld [smem:$0x3FC8]  }
0x92: {  	s4 =	sld [smem:$0x3FC7]  }
0x93: {  	s5 =	sld [smem:$0x3FC6]  }
0x94: {  	s6 =	sld [smem:$0x3FC5]  }
0x95: {  	s7 =	sld [smem:$0x3FC4]  }
0x96: {  	s8 =	sld [smem:$0x3FC3]  }
0x97: {  	s9 =	sld [smem:$0x3FD0];
	(tm) =	ssettm $0x1  }
0x98: {  	s10 =	sld [smem:$0x3FFB];
	_ =	sdelay $0x3  }
0x99: {  	_ =	strace s10  }
0x9a: {  	s10 =	sld [smem:$0x3FFC];
	_ =	sdelay $0x3  }
0x9b: {  	_ =	strace s10  }
0x9c: {  	s10 =	sld [smem:$0x3FFD];
	_ =	sdelay $0x3  }
0x9d: {  	_ =	strace s10  }
0x9e: {  	_ =	strace $0x8FFFFFFF  }
0x9f: {  	s20 =	sld [smem:$0x3FDB];
	_ =	sdelay $0x1  }
0xa0: {  	s11 =	simm.s32 $_scs_section_size  }
0xa1: {  	s12 =	simm.s32 $_size__tile_overlayer_lowered;
	s13 =	simm.s32 $_tile_overlayer_lowered  }
0xa2: {  	s23 =	simm.s32 $0x1BFF;
	s22 =	sshll.u32 s13, $0x1;
	s10 =	sadd.s32 s11, s20  }
0xa3: {  	s14 =	simm.s32 $0x0;
	s21 =	sshll.u32 s12, $0x1;
	s12 =	sadd.s32 s22, s10  }
0xa4: {  	[timem:s14], [sflag:s23] =	dma.local [hbm:s12], s21  }
0xa5: {  	_ =	swait.ge [sflag:s23], s21  }
0xa6: {  	s11 =	ssub.s32 $0x0, s21;
	[sflag:s23] =	ssyncset.done $0x0  }
0xa7: {  	[sflag:s23] =	ssyncadd.s32 s11;
	_ =	sdelay $0x1  }
0xa8: {  	s24 =	simm.s32 $0x1B8B  }
0xa9: {  	_ =	swait.ge [sflag:s24], $0x1  }
0xaa: {  	[sflag:s24] =	ssyncset.done $0x0  }
0xab: {  	s25 =	simm.s32 $0x1B8E;
	[sflag:s24] =	ssyncadd.s32 $0xFFFFFFFF  }
0xac: {  	s26 =	simm.s32 $execute0_lowered;
	[smem:$0x3FD2] =	sst s25  }
0xad: {  	s11 =	sshll.u32 s26, $0x1;
	_ =	strace $0x80000046;
	[dreg:$0x1] =	wrdreg $0xFFFFFFFF  }
0xae: {  	s28 =	simm.s32 $_size_execute0_lowered;
	s10 =	sadd.s32 s10, s11;
	[dreg:$0x0] =	wrdreg $0x0  }
0xaf: {  	s11 =	sshll.u32 s28, $0x1;
	[dreg:$0x2] =	wrdreg s10  }
0xb0: {  	[dreg:$0x3] =	wrdreg s11  }
0xb1: {  	[dreg:$0x4] =	wrdreg $0xC0  }
0xb2: {  	_ =	task [dreg:s14], $0x5FFFF  }
0xb3: {  	[dreg:$0x1] =	wrdreg $0xFFFFFFFF  }
0xb4: {  	[dreg:$0x0] =	wrdreg $0x60  }
0xb5: {  	[dreg:$0x2] =	wrdreg s2  }
0xb6: {  	[dreg:$0x3] =	wrdreg s19  }
0xb7: {  	[dreg:$0x4] =	wrdreg s4  }
0xb8: {  	[dreg:$0x5] =	wrdreg s5  }
0xb9: {  	[dreg:$0x6] =	wrdreg s6  }
0xba: {  	[dreg:$0x7] =	wrdreg s7  }
0xbb: {  	[dreg:$0x8] =	wrdreg s8  }
0xbc: {  	[dreg:$0x9] =	wrdreg s9  }
0xbd: {  	[dreg:$0xa] =	wrdreg $0x9  }
0xbe: {  	_ =	task.clear_ibuf [dreg:s14], $0xBFFFF;
	_ =	strace $0x90000046  }
0xbf: {  	s29 =	simm.s32 $0x9;
	_ =	strace $0x80000048  }
0xc0: {  	_ =	swait.ge [sflag:s29], $0x1  }
0xc1: {  	[sflag:s29] =	ssyncadd.s32 $0xFFFFFFFF  }
0xc2: {  	_ =	strace $0x90000048  }
0xc3: {  	_ =	sfence  }
0xc4: {  	s30 =	sld [smem:$0x0];
	_ =	sdelay $0x2  }
0xc5: {  	s31 =	sshll.u32 s1, $0xD;
	s1 =	sshrl.u32 s1, $0x2  }
0xc6: {  	s3 =	sand.u32 $0x4000, s31;
	s1 =	sadd.s32 s1, s30  }
0xc7: {  	s0 =	sor.u32 s3, s0;
	s1 =	sshll.u32 s1, $0x11  }
0xc8: {  	s0 =	sor.u32 s1, s0  }
0xc9: {  	s0 =	sadd.s32 $0x8F2B, s0  }
0xca: {  	[sflag:s0] =	ssyncadd.remote.s32 $0x1  }
0xcb: {  	_ =	sfence.sel $0xFFFF  }
0xcc: {  	[dreg:$0x0] =	wrdreg $0xFFFFFFFF;
	(pc) =	sbr.abs _section_cstart, $3  }
0xcd: {  	[dreg:$0x1] =	wrdreg $0xFFFFFFFF  }
0xce: {  	_ =	task.clear_ibuf [dreg:s14], $0x2FFFF;
	_ =	strace $0x9FFFFFFF  }
0xcf: {  	(tm) =	ssettm $0x7FFFFFFF  }
tec
execute0_lowered:
.L_overlay_start_1:
0x0: {  	(tag) =	ssettag $0x1  }
0x1: {  	s7 =	rddreg [dreg:$0x0]  }
0x2: {  	s8 =	rddreg [dreg:$0x1]  }
0x3: {  	s9 =	rddreg [dreg:$0x2]  }
0x4: {  	s1 =	rddreg [dreg:$0x3]  }
0x5: {  	s2 =	rddreg [dreg:$0x4]  }
0x6: {  	s3 =	rddreg [dreg:$0x5]  }
0x7: {  	s5 =	rddreg [dreg:$0x6]  }
0x8: {  	s10 =	rddreg [dreg:$0x7]  }
0x9: {  	s6 =	srdreg.scid;
	s0 =	rddreg [dreg:$0x8]  }
0xa: {  	s4 =	stileid.u32;
	s15 =	simm.s32 $0x10C00;
	s16 =	simm.s32 $0x11400  }
0xb: {  	s17 =	simm.s32 $0x11500;
	s18 =	simm.s32 $0x3;
	s19 =	simm.s32 $0x2  }
0xc: {  	s20 =	simm.s32 $0x12E00;
	s21 =	simm.s32 $0x12B80;
	s22 =	simm.s32 $0x1  }
0xd: {  	s23 =	simm.s32 $0x12D80;
	s24 =	simm.s32 $0x4;
	s25 =	simm.s32 $0x0  }
0xe: {  	s11 =	sand.u32 $0x1, s6;
	s6 =	simm.s32 $0x0;
	s12 =	sshll.u32 s4, $0xA  }
0xf: {  	s13 =	sshll.u32 s11, $0x9;
	[smem:$0x7FF] =	sst s6;
	s11 =	ssub.s32 $0x2, s11  }
.Ltmp0:
0x10: {  	s12 =	sor.u32 s13, s12;
	_ =	strace $0x80000047;
	(pc) =	sbr.rel .LBB2_1-.Ltmp0, $4  }
0x11: {  	v0 =	vlaneseq.u32;
	s31 =	sshrl.u32 s11, $0x1;
	s13 =	simm.s32 $0x10200;
	s14 =	sshll.u32 s12, $0x4  }
0x12: {  	v1 =	vimm.s32 $0x0;
	v2 =	vor.u32 $0x10, v0;
	s11 =	ssub.s32 s11, s31;
	s12 =	sshrl.u32 s12, $0x3;
	s7 =	sadd.s32 s7, s14  }
0x13: {  	v3 =	vor.u32 $0x20, v0;
	v4 =	vor.u32 $0x30, v0;
	v5 =	vor.u32 $0x40, v0;
	s8 =	sadd.s32 s8, s12;
	s9 =	sadd.s32 s9, s12;
	s10 =	sadd.s32 s10, s14  }
0x14: {  	v6 =	vor.u32 $0x50, v0;
	v7 =	vor.u32 $0x60, v0;
	v8 =	vor.u32 $0x70, v0;
	s11 =	smax.u32 s11, $0x1;
	s12 =	simm.s32 $0x10000;
	s14 =	simm.s32 $0x10400  }
.LBB2_21:
0x15: {  	s25 =	sadd.s32 $0x1, s25  }
0x16: {  	p0 =	sne.s32 s25, s11  }
.Ltmp1:
0x17: {  	_ = 	snop;
	(pc) =	sbr.rel @!p0 .LBB2_22-.Ltmp1, $4  }
0x18: {  	[hbm4b:s10+s6] =	stream.linear.scatter [tilespmem:s6], [sflag:$0x4], $0x10000, $0x38;
	[tilespmem:$0x12E80] =	vst v63  }
0x19: {  	_ =	swait.ge [sflag:s24], $0x10000  }
0x1a: {  	[sflag:s24] =	ssyncset.done $0x0  }
0x1b: {  	[sflag:s24] =	ssyncadd.s32 $0xFFFF0000  }
.LBB2_1:
0x1c: {  	[tilespmem:s6], [sflag:$0x1] =	stream.linear.gather [hbm4b:s7+s6], $0x10000, $0x38;
	[tilespmem:$0x12E80] =	vst v63  }
0x1d: {  	_ = 	snop  }
0x1e: {  	[tilespmem:s12], [sflag:$0x2] =	stream.linear.gather [hbm4b:s8+s6], $0x200, $0x38;
	[tilespmem:$0x12E80] =	vst v63  }
0x1f: {  	_ = 	snop  }
0x20: {  	[tilespmem:s13], [sflag:$0x2] =	stream.linear.gather [hbm4b:s9+s6], $0x200, $0x38;
	[tilespmem:$0x12E80] =	vst v63  }
0x21: {  	_ = 	snop  }
0x22: {  	[tilespmem:s14], [sflag:$0x3] =	stream.linear.gather [hbm4b:s1+s6], $0x500, $0x38;
	[tilespmem:$0x12E80] =	vst v63  }
0x23: {  	_ = 	snop  }
0x24: {  	[tilespmem:s15], [sflag:$0x3] =	stream.linear.gather [hbm4b:s2+s6], $0x500, $0x38;
	[tilespmem:$0x12E80] =	vst v63  }
0x25: {  	_ = 	snop  }
0x26: {  	[tilespmem:s16], [sflag:$0x3] =	stream.linear.gather [hbm4b:s3+s6], $0x100, $0x38;
	[tilespmem:$0x12E80] =	vst v63  }
0x27: {  	_ = 	snop  }
0x28: {  	[tilespmem:s17], [sflag:$0x3] =	stream.linear.gather [hbm4b:s5+s6], $0x80, $0x38;
	[tilespmem:$0x12E80] =	vst v63  }
0x29: {  	_ =	swait.ge [sflag:s18], $0x500  }
0x2a: {  	[sflag:s18] =	ssyncset.done $0x0  }
0x2b: {  	[sflag:s18] =	ssyncadd.s32 $0xFFFFFB00  }
0x2c: {  	_ =	swait.ge [sflag:s18], $0x500  }
0x2d: {  	[sflag:s18] =	ssyncset.done $0x0  }
0x2e: {  	[sflag:s18] =	ssyncadd.s32 $0xFFFFFB00  }
0x2f: {  	_ =	swait.ge [sflag:s18], $0x100  }
0x30: {  	[sflag:s18] =	ssyncset.done $0x0  }
0x31: {  	[sflag:s18] =	ssyncadd.s32 $0xFFFFFF00  }
0x32: {  	_ =	swait.ge [sflag:s18], $0x80  }
0x33: {  	[sflag:s18] =	ssyncset.done $0x0  }
0x34: {  	[sflag:s18] =	ssyncadd.s32 $0xFFFFFF80  }
0x35: {  	v11 =	vld [tilespmem:$0x11400]  }
0x36: {  	v14 =	vld [tilespmem:$0x11410]  }
0x37: {  	v15 =	vld [tilespmem:$0x11420]  }
0x38: {  	v24 =	vld [tilespmem:$0x11430]  }
0x39: {  	v26 =	vld [tilespmem:$0x11440]  }
0x3a: {  	v36 =	vld [tilespmem:$0x11450]  }
0x3b: {  	v22 =	vld [tilespmem:$0x11460]  }
0x3c: {  	v25 =	vld [tilespmem:$0x11470]  }
0x3d: {  	v17 =	vld [tilespmem:$0x11480]  }
0x3e: {  	v27 =	vld [tilespmem:$0x11490]  }
0x3f: {  	v28 =	vld [tilespmem:$0x114A0]  }
0x40: {  	v37 =	vld [tilespmem:$0x114B0]  }
0x41: {  	v38 =	vld [tilespmem:$0x114C0]  }
0x42: {  	v23 =	vld [tilespmem:$0x114D0]  }
0x43: {  	v31 =	vld [tilespmem:$0x114E0]  }
0x44: {  	s29 =	simm.s32 $0x0;
	v30 =	vld [tilespmem:$0x114F0]  }
0x45: {  	v9 =	vld [tilespmem:s29+$0x10C00]  }
0x46: {  	v19 =	vld [tilespmem:$0x11500]  }
0x47: {  	v29 =	vld [tilespmem:$0x11510]  }
0x48: {  	v10 =	vld [tilespmem:s29+$0x10C10]  }
0x49: {  	v39 =	vld [tilespmem:$0x11520]  }
0x4a: {  	v40 =	vld [tilespmem:$0x11530]  }
0x4b: {  	v12 =	vld [tilespmem:s29+$0x10C20]  }
0x4c: {  	v41 =	vld [tilespmem:$0x11540]  }
0x4d: {  	v42 =	vld [tilespmem:$0x11550]  }
0x4e: {  	v20 =	vld [tilespmem:s29+$0x10C30]  }
0x4f: {  	v35 =	vld [tilespmem:$0x11560]  }
0x50: {  	v33 =	vld [tilespmem:$0x11570]  }
0x51: {  	v21 =	vld [tilespmem:s29+$0x10C40]  }
0x52: {  	v43 =	vld [tilespmem:s29+$0x10400]  }
0x53: {  	v44 =	vld [tilespmem:s29+$0x10410]  }
0x54: {  	v45 =	vld [tilespmem:s29+$0x10C50]  }
0x55: {  	v46 =	vld [tilespmem:s29+$0x10420]  }
0x56: {  	v47 =	vld [tilespmem:s29+$0x10430]  }
0x57: {  	v48 =	vld [tilespmem:s29+$0x10C60]  }
0x58: {  	v49 =	vld [tilespmem:s29+$0x10440]  }
0x59: {  	v50 =	vld [tilespmem:s29+$0x10450];
	v9 =	vadd.f32 $9.999999930e-09, v9  }
0x5a: {  	v51 =	vld [tilespmem:s29+$0x10C70]  }
0x5b: {  	v52 =	vld [tilespmem:s29+$0x10460];
	(erf) = vrcp.f32 v9  }
0x5c: {  	v53 =	vld [tilespmem:s29+$0x10470];
	v9 =	vadd.f32 $9.999999930e-09, v10  }
0x5d: {  	v32 =	vld [tilespmem:$0x11400]  }
0x5e: {  	v18 =	vld [tilespmem:$0x11410];
	(erf) = vrcp.f32 v9;
	v9 =	vadd.f32 $9.999999930e-09, v12  }
0x5f: {  	v16 =	vld [tilespmem:$0x11420]  }
0x60: {  	v13 =	vld [tilespmem:$0x11440];
	(erf) = vrcp.f32 v9  }
0x61: {  	v55 =	vld [tilespmem:$0x11470]  }
0x62: {  	v20 =	vadd.f32 $9.999999930e-09, v20;
	v57 =	vmul.f32 v17, v19;
	v17 =	vld [tilespmem:$0x114C0]  }
0x63: {  	v58 =	vmul.f32 v14, v29;
	v14 =	vld [tilespmem:$0x114D0]  }
0x64: {  	v10 =	vld [tilespmem:$0x11450];
	v34 =	vpop (erf);
	(erf) = vrcp.f32 v20  }
0x65: {  	v12 =	vld [tilespmem:$0x11430];
	v20 =	vadd.f32 $9.999999930e-09, v21;
	v54 =	vmul.f32 v34, v19  }
0x66: {  	v11 =	vmul.f32 v11, v19;
	v9 =	vld [tilespmem:$0x11460]  }
0x67: {  	v45 =	vadd.f32 $9.999999930e-09, v45;
	v21 =	vld [tilespmem:$0x11490];
	v56 =	vpop (erf);
	(erf) = vrcp.f32 v20;
	v43 =	vmul.f32 v43, v54  }
0x68: {  	v61 =	vadd.f32 $9.999999930e-09, v48;
	v34 =	vld [tilespmem:$0x11480];
	v56 =	vmul.f32 v56, v29  }
0x69: {  	v27 =	vmul.f32 v27, v29;
	v19 =	vld [tilespmem:$0x114B0];
	v60 =	vpop (erf);
	(erf) = vrcp.f32 v45;
	v11 =	vsub.f32 v11, v43  }
0x6a: {  	s28 =	simm.s32 $0x11E00;
	v20 =	vld [tilespmem:$0x114A0];
	[tilespmem:s29+$0x11580] =	vst v54;
	v29 =	vmul.f32 v15, v39;
	v44 =	vmul.f32 v44, v56;
	v43 =	vsub.f32 v57, v43  }
0x6b: {  	s26 =	simm.s32 $0x80;
	v15 =	vld [tilespmem:$0x114F0];
	v62 =	vmul.f32 v60, v39;
	(erf) = vrcp.f32 v61;
	v57 =	vadd.f32 $9.999999930e-09, v51;
	[tilespmem:s28+$0xFFFFFF80] =	vst v11  }
0x6c: {  	v28 =	vmul.f32 v28, v39;
	[tilespmem:s28+$0x0] =	vst v43;
	v63 =	vsub.f32 v58, v44;
	v58 =	vld [tilespmem:s26+$0x10C00]  }
0x6d: {  	v54 =	vmul.f32 v46, v62;
	v27 =	vsub.f32 v27, v44;
	v43 =	vld [tilespmem:$0x11500];
	[tilespmem:s29+$0x11590] =	vst v56;
	v56 =	vpop (erf);
	(erf) = vrcp.f32 v57  }
0x6e: {  	v24 =	vmul.f32 v24, v40;
	v11 =	vld [tilespmem:$0x114E0];
	[tilespmem:s28+$0xFFFFFF90] =	vst v63;
	v59 =	vmul.f32 v56, v40  }
0x6f: {  	v37 =	vmul.f32 v37, v40;
	v48 =	vmul.f32 v26, v41;
	[tilespmem:s28+$0x10] =	vst v27;
	v27 =	vsub.f32 v29, v54;
	v29 =	vld [tilespmem:$0x11510]  }
0x70: {  	v38 =	vmul.f32 v38, v41;
	v45 =	vsub.f32 v28, v54;
	[tilespmem:s29+$0x115A0] =	vst v62;
	v62 =	vld [tilespmem:s26+$0x10C10];
	v60 =	vpop (erf);
	v61 =	vmul.f32 v47, v59  }
0x71: {  	v36 =	vmul.f32 v36, v42;
	v28 =	vld [tilespmem:$0x11520];
	[tilespmem:s28+$0xFFFFFFA0] =	vst v27;
	v63 =	vmul.f32 v60, v41  }
0x72: {  	[tilespmem:s28+$0x20] =	vst v45;
	v27 =	vld [tilespmem:$0x11530];
	v54 =	vadd.f32 $9.999999930e-09, v58;
	v39 =	vmul.f32 v32, v43;
	v26 =	vpop (erf);
	v24 =	vsub.f32 v24, v61  }
0x73: {  	[tilespmem:s29+$0x115B0] =	vst v59;
	v41 =	vld [tilespmem:s26+$0x10C20];
	v56 =	vmul.f32 v49, v63;
	v37 =	vsub.f32 v37, v61;
	v57 =	vmul.f32 v26, v42  }
0x74: {  	v32 =	vld [tilespmem:s26+$0x10440];
	(erf) = vrcp.f32 v54;
	v59 =	vpop (erf);
	v42 =	vmul.f32 v23, v42;
	[tilespmem:s28+$0xFFFFFFB0] =	vst v24  }
0x75: {  	v26 =	vld [tilespmem:$0x11540];
	v60 =	vadd.f32 $9.999999930e-09, v62;
	v62 =	vmul.f32 v59, v35;
	[tilespmem:s28+$0x30] =	vst v37;
	v58 =	vsub.f32 v48, v56  }
0x76: {  	v61 =	vmul.f32 v50, v57;
	v38 =	vsub.f32 v38, v56;
	v48 =	vmul.f32 v22, v35;
	[tilespmem:s29+$0x115C0] =	vst v63;
	v63 =	vld [tilespmem:s26+$0x10C30];
	v50 =	vpop (erf)  }
0x77: {  	v23 =	vld [tilespmem:$0x11560];
	(erf) = vrcp.f32 v60;
	[tilespmem:s28+$0xFFFFFFC0] =	vst v58;
	v51 =	vmul.f32 v50, v33  }
0x78: {  	v24 =	vld [tilespmem:$0x11550];
	v49 =	vmul.f32 v52, v62;
	[tilespmem:s28+$0x40] =	vst v38;
	v36 =	vsub.f32 v36, v61;
	v58 =	vadd.f32 $9.999999930e-09, v41  }
0x79: {  	v30 =	vmul.f32 v30, v33;
	v52 =	vld [tilespmem:s26+$0x10C40];
	v40 =	vsub.f32 v42, v61;
	[tilespmem:s29+$0x115D0] =	vst v57;
	v57 =	vmul.f32 v53, v51  }
0x7a: {  	v31 =	vmul.f32 v31, v35;
	v22 =	vld [tilespmem:$0x11570];
	v54 =	vsub.f32 v48, v49;
	[tilespmem:s28+$0xFFFFFFD0] =	vst v36;
	(erf) = vrcp.f32 v58  }
0x7b: {  	v56 =	vld [tilespmem:s26+$0x10400];
	[tilespmem:s28+$0x50] =	vst v40;
	v60 =	vsub.f32 v30, v57;
	v30 =	vadd.f32 $9.999999930e-09, v63  }
0x7c: {  	v59 =	vmul.f32 v25, v33;
	v25 =	vsub.f32 v31, v49;
	v31 =	vld [tilespmem:s26+$0x10C50];
	[tilespmem:s29+$0x115E0] =	vst v62  }
0x7d: {  	v35 =	vld [tilespmem:s26+$0x10420];
	[tilespmem:s28+$0xFFFFFFE0] =	vst v54;
	v61 =	vpop (erf);
	(erf) = vrcp.f32 v30  }
0x7e: {  	v36 =	vld [tilespmem:s26+$0x10410];
	[tilespmem:s28+$0x60] =	vst v25;
	v62 =	vadd.f32 $9.999999930e-09, v52;
	v37 =	vmul.f32 v61, v43  }
0x7f: {  	v25 =	vmul.f32 v55, v22;
	v40 =	vsub.f32 v59, v57;
	[tilespmem:s29+$0x115F0] =	vst v51;
	v30 =	vld [tilespmem:s26+$0x10C60]  }
0x80: {  	v33 =	vld [tilespmem:s26+$0x10430];
	[tilespmem:s28+$0x70] =	vst v60;
	v38 =	vmul.f32 v56, v37;
	v63 =	vpop (erf);
	(erf) = vrcp.f32 v62  }
0x81: {  	s29 =	simm.s32 $0x400;
	v41 =	vadd.f32 $9.999999930e-09, v31;
	v31 =	vld [tilespmem:s26+$0x10450];
	[tilespmem:s28+$0xFFFFFFF0] =	vst v40;
	v40 =	vmul.f32 v34, v43;
	v34 =	vmul.f32 v63, v29  }
.LBB2_2:
0x82: {  	p0 =	sne.s32 s29, $0x1200;
	v18 =	vmul.f32 v18, v29;
	v42 =	vld [tilespmem:s26+$0x10C70];
	v39 =	vsub.f32 v39, v38  }
0x83: {  	s28 =	sadd.s32 $0x100, s28;
	v36 =	vmul.f32 v36, v34;
	v43 =	vld [tilespmem:s26+$0x10460];
	[tilespmem:s26+$0x11580] =	vst v37;
	v37 =	vsub.f32 v40, v38;
	v38 =	vpop (erf);
	(erf) = vrcp.f32 v41  }
0x84: {  	v21 =	vmul.f32 v21, v29;
	v29 =	vmul.f32 v38, v28;
	v38 =	vadd.f32 $9.999999930e-09, v30;
	v40 =	vld [tilespmem:s26+$0x10470];
	[tilespmem:s28+$0xFFFFFF80] =	vst v39  }
0x85: {  	v39 =	vmul.f32 v16, v28;
	v30 =	vld [tilespmem:$0x11400];
	[tilespmem:s28+$0x0] =	vst v37;
	v37 =	vsub.f32 v18, v36  }
0x86: {  	v21 =	vsub.f32 v21, v36;
	v18 =	vld [tilespmem:$0x11410];
	v35 =	vmul.f32 v35, v29;
	[tilespmem:s26+$0x11590] =	vst v34;
	v34 =	vpop (erf);
	(erf) = vrcp.f32 v38  }
0x87: {  	v20 =	vmul.f32 v20, v28;
	v16 =	vld [tilespmem:$0x11420];
	v28 =	vmul.f32 v34, v27;
	v34 =	vadd.f32 $9.999999930e-09, v42;
	[tilespmem:s28+$0xFFFFFF90] =	vst v37  }
0x88: {  	v36 =	vmul.f32 v12, v27;
	v12 =	vld [tilespmem:$0x11430];
	[tilespmem:s28+$0x10] =	vst v21;
	v21 =	vsub.f32 v39, v35  }
0x89: {  	v20 =	vsub.f32 v20, v35;
	v37 =	vld [tilespmem:$0x11440];
	v33 =	vmul.f32 v33, v28;
	[tilespmem:s26+$0x115A0] =	vst v29;
	v29 =	vpop (erf);
	(erf) = vrcp.f32 v34  }
0x8a: {  	v19 =	vmul.f32 v19, v27;
	v34 =	vld [tilespmem:$0x11450];
	v27 =	vmul.f32 v29, v26;
	[tilespmem:s28+$0xFFFFFFA0] =	vst v21  }
0x8b: {  	v29 =	vld [tilespmem:$0x11460];
	[tilespmem:s28+$0x20] =	vst v20;
	v20 =	vsub.f32 v36, v33  }
0x8c: {  	v36 =	vmul.f32 v13, v26;
	v19 =	vsub.f32 v19, v33;
	v35 =	vld [tilespmem:$0x11470];
	v32 =	vmul.f32 v32, v27;
	[tilespmem:s26+$0x115B0] =	vst v28;
	v21 =	vpop (erf)  }
0x8d: {  	v17 =	vmul.f32 v17, v26;
	v41 =	vld [tilespmem:$0x11480];
	v26 =	vmul.f32 v21, v24;
	[tilespmem:s28+$0xFFFFFFB0] =	vst v20  }
0x8e: {  	v21 =	vld [tilespmem:$0x11490];
	[tilespmem:s28+$0x30] =	vst v19;
	v28 =	vsub.f32 v36, v32;
	v13 =	vmov v37  }
0x8f: {  	v33 =	vmul.f32 v10, v24;
	v20 =	vld [tilespmem:$0x114A0];
	v31 =	vmul.f32 v31, v26;
	[tilespmem:s26+$0x115C0] =	vst v27;
	v27 =	vsub.f32 v17, v32;
	v10 =	vpop (erf)  }
0x90: {  	v24 =	vmul.f32 v14, v24;
	v19 =	vld [tilespmem:$0x114B0];
	v32 =	vmul.f32 v10, v23;
	[tilespmem:s28+$0xFFFFFFC0] =	vst v28;
	v10 =	vmov v34  }
0x91: {  	v17 =	vld [tilespmem:$0x114C0];
	[tilespmem:s28+$0x40] =	vst v27;
	v27 =	vsub.f32 v33, v31  }
0x92: {  	v28 =	vmul.f32 v9, v23;
	v24 =	vsub.f32 v24, v31;
	v14 =	vld [tilespmem:$0x114D0];
	v33 =	vmul.f32 v43, v32;
	[tilespmem:s26+$0x115D0] =	vst v26;
	v9 =	vpop (erf)  }
0x93: {  	v23 =	vmul.f32 v11, v23;
	v11 =	vld [tilespmem:$0x114E0];
	v26 =	vmul.f32 v9, v22;
	[tilespmem:s28+$0xFFFFFFD0] =	vst v27;
	v9 =	vmov v29  }
0x94: {  	s30 =	sshra.s32 s29, $0x2;
	v27 =	vld [tilespmem:$0x114F0];
	[tilespmem:s28+$0x50] =	vst v24;
	v24 =	vsub.f32 v28, v33  }
0x95: {  	v15 =	vmul.f32 v15, v22;
	v23 =	vsub.f32 v23, v33;
	v31 =	vld [tilespmem:s30+$0x10C00];
	v22 =	vmul.f32 v40, v26;
	[tilespmem:s26+$0x115E0] =	vst v32  }
0x96: {  	v34 =	vld [tilespmem:$0x11500];
	[tilespmem:s28+$0xFFFFFFE0] =	vst v24  }
0x97: {  	v29 =	vld [tilespmem:$0x11510];
	[tilespmem:s28+$0x60] =	vst v23;
	v23 =	vsub.f32 v25, v22;
	v24 =	vsub.f32 v15, v22  }
0x98: {  	v22 =	vld [tilespmem:s30+$0x10C10];
	[tilespmem:s26+$0x115F0] =	vst v26;
	s26 =	smov.u32 s30  }
0x99: {  	v28 =	vld [tilespmem:$0x11520];
	[tilespmem:s28+$0x70] =	vst v24;
	v15 =	vmov v27  }
0x9a: {  	v27 =	vld [tilespmem:$0x11530];
	v24 =	vadd.f32 $9.999999930e-09, v31;
	[tilespmem:s28+$0xFFFFFFF0] =	vst v23  }
0x9b: {  	v25 =	vld [tilespmem:s26+$0x10C20]  }
0x9c: {  	v26 =	vld [tilespmem:$0x11540];
	(erf) = vrcp.f32 v24  }
0x9d: {  	v24 =	vld [tilespmem:$0x11550];
	v22 =	vadd.f32 $9.999999930e-09, v22  }
0x9e: {  	v31 =	vld [tilespmem:s26+$0x10C30]  }
0x9f: {  	v23 =	vld [tilespmem:$0x11560];
	(erf) = vrcp.f32 v22  }
0xa0: {  	v22 =	vld [tilespmem:$0x11570];
	v25 =	vadd.f32 $9.999999930e-09, v25  }
0xa1: {  	v32 =	vld [tilespmem:s26+$0x10C40]  }
0xa2: {  	v38 =	vld [tilespmem:s26+$0x10400];
	(erf) = vrcp.f32 v25  }
0xa3: {  	v31 =	vadd.f32 $9.999999930e-09, v31;
	v36 =	vld [tilespmem:s26+$0x10410]  }
0xa4: {  	v42 =	vld [tilespmem:s26+$0x10C50]  }
.Ltmp2:
0xa5: {  	v25 =	vmul.f32 v35, v22;
	v35 =	vld [tilespmem:s26+$0x10420];
	v33 =	vpop (erf);
	(erf) = vrcp.f32 v31;
	(pc) =	sbr.rel @p0 .LBB2_2-.Ltmp2, $4  }
0xa6: {  	v37 =	vmul.f32 v33, v34;
	v31 =	vadd.f32 $9.999999930e-09, v32;
	v33 =	vld [tilespmem:s26+$0x10430]  }
0xa7: {  	v39 =	vmul.f32 v30, v34;
	v30 =	vld [tilespmem:s26+$0x10C60]  }
0xa8: {  	v38 =	vmul.f32 v38, v37;
	v32 =	vld [tilespmem:s26+$0x10440];
	v43 =	vpop (erf);
	(erf) = vrcp.f32 v31  }
0xa9: {  	s29 =	sadd.s32 $0x200, s29;
	v40 =	vmul.f32 v41, v34;
	v34 =	vmul.f32 v43, v29;
	v41 =	vadd.f32 $9.999999930e-09, v42;
	v31 =	vld [tilespmem:s26+$0x10450]  }
0xaa: {  	v42 =	vld [tilespmem:s26+$0x10C70];
	v18 =	vmul.f32 v18, v29;
	v39 =	vsub.f32 v39, v38  }
0xab: {  	v43 =	vld [tilespmem:s26+$0x10460];
	[tilespmem:s26+$0x11580] =	vst v37;
	s28 =	sadd.s32 $0x100, s28;
	v36 =	vmul.f32 v36, v34;
	v52 =	vsub.f32 v40, v38;
	v53 =	vpop (erf);
	(erf) = vrcp.f32 v41  }
0xac: {  	v54 =	vld [tilespmem:s26+$0x10470];
	v21 =	vmul.f32 v21, v29;
	v55 =	vmul.f32 v53, v28;
	v30 =	vadd.f32 $9.999999930e-09, v30;
	[tilespmem:s28+$0xFFFFFF80] =	vst v39  }
0xad: {  	v16 =	vmul.f32 v16, v28;
	[tilespmem:s28+$0x0] =	vst v52;
	v18 =	vsub.f32 v18, v36  }
0xae: {  	v21 =	vsub.f32 v21, v36;
	v35 =	vmul.f32 v35, v55;
	[tilespmem:s26+$0x11590] =	vst v34;
	v56 =	vpop (erf);
	(erf) = vrcp.f32 v30  }
0xaf: {  	v20 =	vmul.f32 v20, v28;
	v57 =	vmul.f32 v56, v27;
	v58 =	vadd.f32 $9.999999930e-09, v42;
	[tilespmem:s28+$0xFFFFFF90] =	vst v18  }
0xb0: {  	v12 =	vmul.f32 v12, v27;
	[tilespmem:s28+$0x10] =	vst v21;
	v16 =	vsub.f32 v16, v35  }
0xb1: {  	[tilespmem:s26+$0x115A0] =	vst v55;
	v20 =	vsub.f32 v20, v35;
	v59 =	vmul.f32 v33, v57;
	v60 =	vpop (erf);
	(erf) = vrcp.f32 v58  }
0xb2: {  	v19 =	vmul.f32 v19, v27;
	v21 =	vmul.f32 v60, v26;
	[tilespmem:s28+$0xFFFFFFA0] =	vst v16  }
0xb3: {  	[tilespmem:s28+$0x20] =	vst v20;
	v12 =	vsub.f32 v12, v59  }
0xb4: {  	v13 =	vmul.f32 v13, v26;
	[tilespmem:s26+$0x115B0] =	vst v57;
	v18 =	vsub.f32 v19, v59;
	v61 =	vmul.f32 v32, v21;
	v62 =	vpop (erf)  }
0xb5: {  	v17 =	vmul.f32 v17, v26;
	v19 =	vmul.f32 v62, v24;
	[tilespmem:s28+$0xFFFFFFB0] =	vst v12  }
0xb6: {  	v14 =	vmul.f32 v14, v24;
	[tilespmem:s28+$0x30] =	vst v18;
	v12 =	vsub.f32 v13, v61  }
0xb7: {  	v10 =	vmul.f32 v10, v24;
	[tilespmem:s26+$0x115C0] =	vst v21;
	v16 =	vsub.f32 v17, v61;
	v13 =	vmul.f32 v31, v19;
	v63 =	vpop (erf)  }
0xb8: {  	v17 =	vmul.f32 v63, v23;
	[tilespmem:s28+$0xFFFFFFC0] =	vst v12  }
0xb9: {  	[tilespmem:s28+$0x40] =	vst v16;
	v10 =	vsub.f32 v10, v13  }
0xba: {  	v9 =	vmul.f32 v9, v23;
	[tilespmem:s26+$0x115D0] =	vst v19;
	v13 =	vsub.f32 v14, v13;
	v12 =	vmul.f32 v43, v17;
	v14 =	vpop (erf)  }
0xbb: {  	v11 =	vmul.f32 v11, v23;
	v14 =	vmul.f32 v14, v22;
	[tilespmem:s28+$0xFFFFFFD0] =	vst v10  }
0xbc: {  	[tilespmem:s28+$0x50] =	vst v13;
	v9 =	vsub.f32 v9, v12  }
0xbd: {  	v10 =	vmul.f32 v15, v22;
	[tilespmem:s26+$0x115E0] =	vst v17;
	v11 =	vsub.f32 v11, v12;
	v13 =	vmul.f32 v54, v14  }
0xbe: {  	[tilespmem:s28+$0xFFFFFFE0] =	vst v9  }
0xbf: {  	[tilespmem:s28+$0x60] =	vst v11;
	v9 =	vsub.f32 v10, v13  }
0xc0: {  	v10 =	vsub.f32 v25, v13;
	[tilespmem:s26+$0x115F0] =	vst v14  }
0xc1: {  	[tilespmem:s28+$0x70] =	vst v9  }
0xc2: {  	[tilespmem:s28+$0xFFFFFFF0] =	vst v10  }
0xc3: {  	_ =	swait.ge [sflag:s19], $0x200  }
0xc4: {  	[sflag:s19] =	ssyncset.done $0x0  }
0xc5: {  	[sflag:s19] =	ssyncadd.s32 $0xFFFFFE00  }
0xc6: {  	_ =	swait.ge [sflag:s19], $0x200  }
0xc7: {  	[sflag:s19] =	ssyncset.done $0x0  }
0xc8: {  	s28 =	simm.s32 $0x0;
	[sflag:s19] =	ssyncadd.s32 $0xFFFFFE00  }
0xc9: {  	v9 =	vld [tilespmem:s28+$0x10000];
	_ =	sdelay $0x4  }
0xca: {  	s26 =	simm.s32 $0x10;
	v9 =	vcvt.s32.f32 v9  }
0xcb: {  	v10 =	vld [tilespmem:s26+$0x10000]  }
0xcc: {  	v9 =	vadd.f32 $-5.000000000e+00, v9;
	_ =	sdelay $0x1  }
0xcd: {  	v9 =	vmul.f32 $6.250000000e-02, v9;
	_ =	sdelay $0x1  }
0xce: {  	v10 =	vcvt.s32.f32 v10;
	v9 =	vmax.f32 v9, $0.0e+00  }
0xcf: {  	s29 =	simm.s32 $0x20;
	v9 =	vmin.f32 v9, $1.000000000e+00  }
0xd0: {  	v11 =	vadd.f32 $-5.000000000e+00, v10;
	v10 =	vld [tilespmem:s29+$0x10000];
	v9 =	vmul.f32 $9.000000000e+00, v9;
	_ =	sdelay $0x1  }
0xd1: {  	v13 =	vtrunc.f32 v9;
	v9 =	vld [tilespmem:s28+$0x10200]  }
0xd2: {  	v12 =	vmul.f32 $6.250000000e-02, v11  }
0xd3: {  	s30 =	simm.s32 $0xC0;
	v11 =	vcvt.f32.s32 v13  }
.LBB2_4:
0xd4: {  	s31 =	sshra.s32 s30, $0x2;
	p0 =	sne.s32 s30, $0x7C0;
	s30 =	sadd.s32 $0x40, s30;
	v13 =	vcvt.s32.f32 v10;
	v12 =	vmax.f32 v12, $0.0e+00  }
.Ltmp3:
0xd5: {  	v10 =	vld [tilespmem:s31+$0x10000];
	v12 =	vmin.f32 v12, $1.000000000e+00;
	v11 =	vshll.u32 v11, $0x1;
	(pc) =	sbr.rel @p0 .LBB2_4-.Ltmp3, $4  }
0xd6: {  	v13 =	vadd.f32 $-5.000000000e+00, v13;
	v14 =	vmul.f32 $9.000000000e+00, v12;
	v11 =	vadd.s32 v9, v11  }
0xd7: {  	v9 =	vld [tilespmem:s26+$0x10200];
	[tilespmem:s28+$0x12980] =	vst v11;
	s28 =	smov.u32 s26;
	s26 =	smov.u32 s29;
	s29 =	smov.u32 s31  }
0xd8: {  	v12 =	vmul.f32 $6.250000000e-02, v13;
	v11 =	vtrunc.f32 v14  }
0xd9: {  	v11 =	vcvt.f32.s32 v11  }
0xda: {  	v10 =	vcvt.s32.f32 v10;
	_ =	sdelay $0x1  }
0xdb: {  	v10 =	vadd.f32 $-5.000000000e+00, v10;
	_ =	sdelay $0x1  }
0xdc: {  	v10 =	vmul.f32 $6.250000000e-02, v10  }
0xdd: {  	v12 =	vmax.f32 v12, $0.0e+00  }
0xde: {  	v12 =	vmin.f32 v12, $1.000000000e+00;
	v10 =	vmax.f32 v10, $0.0e+00  }
0xdf: {  	v12 =	vmul.f32 $9.000000000e+00, v12;
	v10 =	vmin.f32 v10, $1.000000000e+00  }
0xe0: {  	v13 =	vld [tilespmem:s26+$0x10200];
	v10 =	vmul.f32 $9.000000000e+00, v10  }
0xe1: {  	v14 =	vld [tilespmem:s29+$0x10200];
	v12 =	vtrunc.f32 v12  }
0xe2: {  	v12 =	vcvt.f32.s32 v12;
	v10 =	vtrunc.f32 v10  }
0xe3: {  	v11 =	vshll.u32 v11, $0x1;
	v10 =	vcvt.f32.s32 v10  }
0xe4: {  	v9 =	vadd.s32 v9, v11;
	v11 =	vshll.u32 v12, $0x1  }
0xe5: {  	[tilespmem:s28+$0x12980] =	vst v9;
	v9 =	vadd.s32 v13, v11;
	v10 =	vshll.u32 v10, $0x1  }
0xe6: {  	[tilespmem:s26+$0x12980] =	vst v9;
	v9 =	vadd.s32 v14, v10  }
0xe7: {  	[tilespmem:s29+$0x12980] =	vst v9  }
0xe8: {  	[tilespmem:$0x12E00] =	vst v1  }
0xe9: {  	s28 =	simm.s32 $0x0;
	s26 =	simm.s32 $0x40;
	[tilespmem:$0x12E10] =	vst v1  }
.LBB2_6:
0xea: {  	p0 =	sne.s32 s26, $0x7C0;
	v9 =	vld [tilespmem:s28+$0x12980];
	_ =	sdelay $0x4  }
0xeb: {  	(xrf1) =	vunique.msk.u32 $0xffff, v9;
	_ =	sdelay $0xd  }
0xec: {  	_, v10, vm0 =	vpop (xrf1);
	_ =	sdelay $0x1  }
.Ltmp4:
0xed: {  	(pc) =	sbr.rel @p0 .LBB2_6-.Ltmp4, $2  }
0xee: {  	_ =	sdelay $0x2  }
0xef: {  	s28 =	sshra.s32 s26, $0x2;
	s26 =	sadd.s32 $0x40, s26;
	[tilespmem:v9+s20+$0x0] =	vst.idx.add.s32.msk vm0, v10  }
0xf0: {  	v9 =	vld [tilespmem:s28+$0x12980];
	_ =	sdelay $0x4  }
0xf1: {  	(xrf1) =	vunique.msk.u32 $0xffff, v9;
	_ =	sdelay $0xd  }
0xf2: {  	_, v10, vm0 =	vpop (xrf1);
	_ =	sdelay $0x5  }
0xf3: {  	[tilespmem:v9+s20+$0x0] =	vst.idx.add.s32.msk vm0, v10  }
0xf4: {  	v9 =	vld [tilespmem:$0x12E00];
	_ =	sdelay $0x2  }
0xf5: {  	v10 =	vld [tilespmem:$0x12E10];
	_ =	sdelay $0x1  }
0xf6: {  	(xrf0) =	vadd.scan.msk.s32 $0xffff, v9;
	_ =	sdelay $0x2  }
0xf7: {  	(xrf0) =	vadd.scan.msk.s32 $0xffff, v10;
	_ =	sdelay $0x2  }
0xf8: {  	v11, _, _ =	vpop (xrf0)  }
0xf9: {  	v12 =	vbroadcast v11, $0xF  }
0xfa: {  	v9 =	vsub.s32 v11, v9  }
0xfb: {  	v13, _, _ =	vpop (xrf0);
	[tilespmem:$0x12D80] =	vst v9;
	v10 =	vsub.s32 v12, v10  }
0xfc: {  	[tilespmem:$0x12E00] =	vst v9;
	v10 =	vadd.s32 v13, v10  }
0xfd: {  	[tilespmem:$0x12D90] =	vst v10  }
0xfe: {  	s28 =	simm.s32 $0x12980;
	[tilespmem:$0x12E10] =	vst v10  }
0xff: {  	v9 =	vld [tilespmem:s28+$0x0]  }
0x100: {  	s26 =	simm.s32 $0x0;
	s29 =	simm.s32 $0x10  }
.LBB2_8:
0x101: {  	p0 =	sne.s32 s29, $0x1F0;
	_ =	sdelay $0x2  }
0x102: {  	(xrf1) =	vunique.msk.u32 $0xffff, v9;
	_ =	sdelay $0x8  }
0x103: {  	v10 =	vld.idx.msk [tilespmem:v9+s20+$0x0], $0xffff;
	_ =	sdelay $0x4  }
0x104: {  	_, v11, vm0 =	vpop (xrf1)  }
0x105: {  	v10 =	vadd.s32 v11, v10  }
0x106: {  	v10 =	vadd.s32 $0xFFFFFFFF, v10;
	_ =	sdelay $0x3  }
.Ltmp5:
0x107: {  	v12 =	vor.u32 s26, v0;
	s26 =	smov.u32 s29;
	(pc) =	sbr.rel @p0 .LBB2_8-.Ltmp5, $4  }
0x108: {  	[tilespmem:v10+s21+$0x0] =	vst.idx.msk $0xffff, v12  }
0x109: {  	s28 =	sadd.s32 $0x10, s28;
	[tilespmem:v9+s20+$0x0] =	vst.idx.add.s32.msk vm0, v11  }
0x10a: {  	v9 =	vld [tilespmem:s28+$0x0]  }
0x10b: {  	s29 =	sadd.s32 $0x10, s29  }
0x10c: {  	_ =	sdelay $0x2  }
0x10d: {  	(xrf1) =	vunique.msk.u32 $0xffff, v9;
	_ =	sdelay $0x9  }
0x10e: {  	v10 =	vld.idx.msk [tilespmem:v9+s20+$0x0], $0xffff;
	_ =	sdelay $0x3  }
0x10f: {  	_, v11, vm0 =	vpop (xrf1)  }
0x110: {  	v10 =	vadd.s32 v11, v10  }
0x111: {  	v10 =	vadd.s32 $0xFFFFFFFF, v10;
	_ =	sdelay $0x3  }
0x112: {  	v12 =	vor.u32 s26, v0  }
.Ltmp6:
0x113: {  	[tilespmem:v10+s21+$0x0] =	vst.idx.msk $0xffff, v12;
	(pc) =	sbr.rel .LBB2_10-.Ltmp6, $4  }
0x114: {  	[tilespmem:v9+s20+$0x0] =	vst.idx.add.s32.msk vm0, v11  }
0x115: {  	_ =	swait.ge [sflag:s22], $0x10000  }
0x116: {  	[sflag:s22] =	ssyncset.done $0x0  }
0x117: {  	s26 =	simm.s32 $0x0;
	[sflag:s22] =	ssyncadd.s32 $0xFFFF0000  }
.LBB2_12:
0x118: {  	_ = 	snop  }
.LBB2_19:
0x119: {  	_ =	sdelay $0x2  }
0x11a: {  	v31 =	vor.u32 v0, v25  }
0x11b: {  	[tilespmem:v47+s6+$0x0] =	vst.idx.msk @p1 $0xffff, v46;
	v35 =	vor.u32 v2, v25;
	v36 =	vor.u32 v3, v25  }
0x11c: {  	v34 =	vld.idx.msk @p0 [tilespmem:v41+s6+$0x0], $0xffff;
	v28 =	vmul.f32 @p0 v28, v19;
	v41 =	vor.u32 v4, v25;
	v44 =	vor.u32 v5, v25  }
0x11d: {  	v38 =	vld.idx.msk @p0 [tilespmem:v39+s6+$0x0], $0xffff;
	v27 =	vmul.f32 @p0 v27, v17;
	v46 =	vor.u32 v6, v25;
	v48 =	vor.u32 v7, v25  }
0x11e: {  	v47 =	vld.idx.msk @p0 [tilespmem:v26+s6+$0x0], $0xffff;
	v53 =	vor.u32 v8, v25;
	v29 =	vmul.f32 @p0 v29, v14;
	v28 =	vadd.f32 @p0 v28, v24  }
0x11f: {  	v26 =	vpsel p0, v26, v0;
	v30 =	vmul.f32 @p0 v30, v12;
	v27 =	vadd.f32 @p0 v27, v23  }
0x120: {  	v29 =	vadd.f32 @p0 v29, v22;
	v33 =	vmul.f32 @p0 v33, v13;
	[tilespmem:v45+s6+$0x0] =	vst.idx.msk @p0 $0xffff, v28;
	v50 =	vld.idx.msk [tilespmem:v31+s6+$0x0], $0xffff  }
0x121: {  	v28 =	vadd.f32 @p0 v30, v21;
	v30 =	vmul.f32 @p0 v34, v11;
	[tilespmem:v43+s6+$0x0] =	vst.idx.msk @p0 $0xffff, v27;
	v51 =	vld.idx.msk [tilespmem:v35+s6+$0x0], $0xffff  }
0x122: {  	v27 =	vadd.f32 @p0 v33, v20;
	v33 =	vmul.f32 @p0 v38, v9;
	v52 =	vld.idx.msk [tilespmem:v36+s6+$0x0], $0xffff;
	[tilespmem:v42+s6+$0x0] =	vst.idx.msk @p0 $0xffff, v29  }
0x123: {  	v54 =	vld.idx.msk [tilespmem:v41+s6+$0x0], $0xffff;
	v42 =	vmul.f32 @p0 v47, v10;
	v29 =	vadd.f32 @p0 v30, v18;
	[tilespmem:v40+s6+$0x0] =	vst.idx.msk @p0 $0xffff, v28  }
0x124: {  	v55 =	vld.idx.msk [tilespmem:v44+s6+$0x0], $0xffff;
	v33 =	vadd.f32 @p0 v33, v16;
	[tilespmem:v37+s6+$0x0] =	vst.idx.msk @p0 $0xffff, v27  }
0x125: {  	v56 =	vld.idx.msk [tilespmem:v46+s6+$0x0], $0xffff;
	v37 =	vadd.f32 @p0 v42, v15;
	[tilespmem:v32+s6+$0x0] =	vst.idx.msk @p0 $0xffff, v29;
	v57 =	vmul.f32 v50, v19  }
0x126: {  	v58 =	vld.idx.msk [tilespmem:v48+s6+$0x0], $0xffff;
	[tilespmem:v39+s6+$0x0] =	vst.idx.msk @p0 $0xffff, v33;
	v59 =	vmul.f32 v51, v17  }
0x127: {  	v60 =	vld.idx.msk [tilespmem:v53+s6+$0x0], $0xffff;
	v33 =	vpsel p0, v37, v0;
	v61 =	vmul.f32 v52, v14;
	v19 =	vadd.f32 v57, v24  }
0x128: {  	v62 =	vmul.f32 v54, v12;
	[tilespmem:v26+s6+$0x0] =	vst.idx.msk @p0 $0xffff, v33;
	v17 =	vadd.f32 v59, v23  }
0x129: {  	v63 =	vmul.f32 v55, v13;
	v14 =	vadd.f32 v61, v22;
	[tilespmem:v31+s6+$0x0] =	vst.idx.msk $0xffff, v19  }
0x12a: {  	v11 =	vmul.f32 v56, v11;
	v12 =	vadd.f32 v62, v21;
	[tilespmem:v35+s6+$0x0] =	vst.idx.msk $0xffff, v17  }
0x12b: {  	v9 =	vmul.f32 v58, v9;
	v13 =	vadd.f32 v63, v20;
	[tilespmem:v36+s6+$0x0] =	vst.idx.msk $0xffff, v14  }
0x12c: {  	v10 =	vmul.f32 v60, v10;
	v11 =	vadd.f32 v11, v18;
	[tilespmem:v41+s6+$0x0] =	vst.idx.msk $0xffff, v12  }
0x12d: {  	v9 =	vadd.f32 v9, v16;
	[tilespmem:v44+s6+$0x0] =	vst.idx.msk $0xffff, v13  }
0x12e: {  	v10 =	vadd.f32 v10, v15;
	[tilespmem:v46+s6+$0x0] =	vst.idx.msk $0xffff, v11  }
0x12f: {  	[tilespmem:v48+s6+$0x0] =	vst.idx.msk $0xffff, v9  }
0x130: {  	[tilespmem:v53+s6+$0x0] =	vst.idx.msk $0xffff, v10  }
.LBB2_20:
0x131: {  	s26 =	sadd.s32 $0x1, s26  }
0x132: {  	p0 =	seq.s32 s26, $0x14  }
.Ltmp7:
0x133: {  	_ = 	snop;
	(pc) =	sbr.rel @p0 .LBB2_21-.Ltmp7, $1  }
0x134: {  	_ =	sdelay $0x3  }
.LBB2_10:
0x135: {  	v9 =	vmov s26;
	_ =	sdelay $0x4  }
0x136: {  	v10 =	vld.idx.msk [tilespmem:v9+s23+$0x0], $0xffff  }
0x137: {  	v9 =	vld.idx.msk [tilespmem:v9+s20+$0x0], $0xffff;
	_ =	sdelay $0x3  }
0x138: {  	(v2sf) =	vpush v10, $0x0  }
0x139: {  	(v2sf) =	vpush v9, $0x0;
	_ =	sdelay $0xd  }
0x13a: {  	s29 =	spop (v2sf)  }
0x13b: {  	s28 =	spop (v2sf)  }
0x13c: {  	p0 =	sge.s32 s29, s28  }
.Ltmp8:
0x13d: {  	_ = 	snop;
	(pc) =	sbr.rel @p0 .LBB2_20-.Ltmp8, $1  }
0x13e: {  	_ =	sdelay $0x3  }
0x13f: {  	s30 =	sshll.u32 s26, $0x6  }
0x140: {  	s31 =	sand.u32 $0x780, s30  }
0x141: {  	v19 =	vld [tilespmem:s31+$0x11580]  }
0x142: {  	v17 =	vld [tilespmem:s31+$0x11590]  }
0x143: {  	v14 =	vld [tilespmem:s31+$0x115A0]  }
0x144: {  	v25 =	vmov s29;
	v12 =	vld [tilespmem:s31+$0x115B0];
	s31 =	sor.u32 $0x40, s30  }
0x145: {  	v13 =	vld [tilespmem:s31+$0x11580];
	s31 =	sor.u32 $0x50, s30  }
0x146: {  	v11 =	vld [tilespmem:s31+$0x11580];
	s31 =	sor.u32 $0x60, s30  }
0x147: {  	s30 =	sor.u32 $0x70, s30;
	v9 =	vld [tilespmem:s31+$0x11580]  }
0x148: {  	s31 =	sshll.u32 s26, $0x7;
	v10 =	vld [tilespmem:s30+$0x11580]  }
0x149: {  	v25 =	vld.idx.msk [tilespmem:v25+s21+$0x0], $0xffff;
	s31 =	sand.u32 $0x3FFFFF80, s31  }
0x14a: {  	v24 =	vld [tilespmem:s31+$0x11D80]  }
0x14b: {  	s29 =	sadd.s32 $0x1, s29;
	v23 =	vld [tilespmem:s31+$0x11D90]  }
0x14c: {  	p2 =	seq.s32 s28, s29;
	v22 =	vld [tilespmem:s31+$0x11DA0]  }
.Ltmp9:
0x14d: {  	v21 =	vld [tilespmem:s31+$0x11DB0];
	(pc) =	sbr.rel @p2 .LBB2_12-.Ltmp9, $4  }
0x14e: {  	v20 =	vld [tilespmem:s31+$0x11DC0]  }
0x14f: {  	v18 =	vld [tilespmem:s31+$0x11DD0]  }
0x150: {  	v16 =	vld [tilespmem:s31+$0x11DE0]  }
0x151: {  	p0 =	por $0x0, $0x0;
	p1 =	por $0x0, $0x0;
	v15 =	vld [tilespmem:s31+$0x11DF0];
	v25 =	vshll.u32 v25, $0x7  }
0x152: {  	v26 =	vmov s29  }
0x153: {  	v45 =	vor.u32 v0, v25  }
0x154: {  	v43 =	vor.u32 v2, v25  }
0x155: {  	v42 =	vor.u32 v3, v25  }
0x156: {  	v40 =	vor.u32 v4, v25;
	s29 =	sadd.s32 $0x1, s29  }
0x157: {  	v37 =	vor.u32 v5, v25;
	p2 =	seq.s32 s28, s29;
	v31 =	vld.idx.msk [tilespmem:v26+s21+$0x0], $0xffff  }
.Ltmp10:
0x158: {  	v28 =	vld.idx.msk [tilespmem:v45+s6+$0x0], $0xffff;
	v26 =	vor.u32 v8, v25;
	(pc) =	sbr.rel @p2 .LBB2_14-.Ltmp10, $4  }
0x159: {  	v27 =	vld.idx.msk [tilespmem:v43+s6+$0x0], $0xffff  }
0x15a: {  	v29 =	vld.idx.msk [tilespmem:v42+s6+$0x0], $0xffff  }
0x15b: {  	v30 =	vld.idx.msk [tilespmem:v40+s6+$0x0], $0xffff  }
0x15c: {  	v41 =	vor.u32 v6, v25;
	v39 =	vor.u32 v7, v25;
	p0 =	por $0x1, $0x1;
	v33 =	vld.idx.msk [tilespmem:v37+s6+$0x0], $0xffff;
	v25 =	vshll.u32 v31, $0x7  }
0x15d: {  	_ =	sdelay $0x3  }
0x15e: {  	v32 =	vmov s29;
	v44 =	vld.idx.msk [tilespmem:v41+s6+$0x0], $0xffff  }
0x15f: {  	v31 =	vor.u32 v0, v25;
	v28 =	vmul.f32 v28, v19;
	v38 =	vor.u32 v2, v25;
	v46 =	vld.idx.msk [tilespmem:v39+s6+$0x0], $0xffff  }
0x160: {  	v35 =	vor.u32 v3, v25;
	v27 =	vmul.f32 v27, v17;
	v29 =	vmul.f32 v29, v14  }
0x161: {  	v36 =	vor.u32 v4, v25;
	v47 =	vld.idx.msk [tilespmem:v26+s6+$0x0], $0xffff;
	v28 =	vadd.f32 v28, v24;
	v30 =	vmul.f32 v30, v12  }
0x162: {  	v34 =	vor.u32 v5, v25;
	v27 =	vadd.f32 v27, v23;
	v29 =	vadd.f32 v29, v22  }
0x163: {  	s29 =	sadd.s32 $0x1, s29;
	v33 =	vmul.f32 v33, v13;
	[tilespmem:v45+s6+$0x0] =	vst.idx.msk $0xffff, v28;
	v30 =	vadd.f32 v30, v21  }
0x164: {  	p2 =	seq.s32 s28, s29;
	v32 =	vld.idx.msk [tilespmem:v32+s21+$0x0], $0xffff;
	v60 =	vmul.f32 v44, v11;
	[tilespmem:v43+s6+$0x0] =	vst.idx.msk $0xffff, v27;
	v61 =	vmul.f32 v46, v9  }
.Ltmp11:
0x165: {  	v28 =	vld.idx.msk [tilespmem:v31+s6+$0x0], $0xffff;
	v44 =	vor.u32 v6, v25;
	v33 =	vadd.f32 v33, v20;
	[tilespmem:v42+s6+$0x0] =	vst.idx.msk $0xffff, v29;
	(pc) =	sbr.rel @p2 .LBB2_16-.Ltmp11, $4  }
0x166: {  	v27 =	vld.idx.msk [tilespmem:v38+s6+$0x0], $0xffff;
	v63 =	vmul.f32 v47, v10;
	v62 =	vadd.f32 v60, v18;
	[tilespmem:v40+s6+$0x0] =	vst.idx.msk $0xffff, v30  }
0x167: {  	v29 =	vld.idx.msk [tilespmem:v35+s6+$0x0], $0xffff;
	v43 =	vadd.f32 v61, v16;
	[tilespmem:v37+s6+$0x0] =	vst.idx.msk $0xffff, v33  }
0x168: {  	v40 =	vor.u32 v8, v25;
	v30 =	vld.idx.msk [tilespmem:v36+s6+$0x0], $0xffff;
	v46 =	vadd.f32 v63, v15;
	[tilespmem:v41+s6+$0x0] =	vst.idx.msk $0xffff, v62  }
0x169: {  	p1 =	por $0x1, $0x1;
	v37 =	vor.u32 v7, v25;
	v33 =	vld.idx.msk [tilespmem:v34+s6+$0x0], $0xffff;
	v25 =	vshll.u32 v32, $0x7;
	[tilespmem:v39+s6+$0x0] =	vst.idx.msk $0xffff, v43;
	v32 =	vmov v44  }
.LBB2_17:
0x16a: {  	v39 =	vmov s29;
	v41 =	vor.u32 v0, v25;
	v42 =	vld.idx.msk [tilespmem:v44+s6+$0x0], $0xffff;
	[tilespmem:v26+s6+$0x0] =	vst.idx.msk $0xffff, v46;
	v43 =	vmovc v37;
	v26 =	vmov v40  }
0x16b: {  	v45 =	vor.u32 v2, v25;
	v47 =	vor.u32 v3, v25;
	v28 =	vmul.f32 v28, v19;
	v46 =	vld.idx.msk [tilespmem:v37+s6+$0x0], $0xffff  }
0x16c: {  	v48 =	vor.u32 v4, v25;
	v49 =	vor.u32 v5, v25;
	v27 =	vmul.f32 v27, v17;
	v40 =	vld.idx.msk [tilespmem:v40+s6+$0x0], $0xffff  }
0x16d: {  	v44 =	vor.u32 v6, v25;
	v28 =	vadd.f32 v28, v24;
	v29 =	vmul.f32 v29, v14  }
0x16e: {  	v37 =	vor.u32 v7, v25;
	v27 =	vadd.f32 v27, v23;
	v30 =	vmul.f32 v30, v12  }
0x16f: {  	s29 =	sadd.s32 $0x1, s29;
	v29 =	vadd.f32 v29, v22;
	v33 =	vmul.f32 v33, v13;
	v39 =	vld.idx.msk [tilespmem:v39+s21+$0x0], $0xffff;
	[tilespmem:v31+s6+$0x0] =	vst.idx.msk $0xffff, v28  }
0x170: {  	p2 =	seq.s32 s28, s29;
	v30 =	vadd.f32 v30, v21;
	v42 =	vmul.f32 v42, v11;
	v31 =	vmov v41;
	[tilespmem:v38+s6+$0x0] =	vst.idx.msk $0xffff, v27  }
.Ltmp12:
0x171: {  	v33 =	vadd.f32 v33, v20;
	v50 =	vmul.f32 v46, v9;
	v28 =	vld.idx.msk [tilespmem:v41+s6+$0x0], $0xffff;
	[tilespmem:v35+s6+$0x0] =	vst.idx.msk $0xffff, v29;
	(pc) =	sbr.rel @!p2 .LBB2_17-.Ltmp12, $4  }
0x172: {  	v42 =	vadd.f32 v42, v18;
	v41 =	vmul.f32 v40, v10;
	v27 =	vld.idx.msk [tilespmem:v45+s6+$0x0], $0xffff;
	[tilespmem:v36+s6+$0x0] =	vst.idx.msk $0xffff, v30  }
0x173: {  	v40 =	vor.u32 v8, v25;
	v50 =	vadd.f32 v50, v16;
	v29 =	vld.idx.msk [tilespmem:v47+s6+$0x0], $0xffff;
	[tilespmem:v34+s6+$0x0] =	vst.idx.msk $0xffff, v33  }
0x174: {  	v38 =	vmov v45;
	v35 =	vmov v47;
	v46 =	vadd.f32 v41, v15;
	v30 =	vld.idx.msk [tilespmem:v48+s6+$0x0], $0xffff;
	[tilespmem:v32+s6+$0x0] =	vst.idx.msk $0xffff, v42  }
0x175: {  	v36 =	vmovc v48;
	v34 =	vmov v49;
	v25 =	vshll.u32 v39, $0x7;
	v32 =	vmov v44;
	v33 =	vld.idx.msk [tilespmem:v49+s6+$0x0], $0xffff;
	[tilespmem:v43+s6+$0x0] =	vst.idx.msk $0xffff, v50  }
.Ltmp13:
0x176: {  	(pc) =	sbr.rel .LBB2_19-.Ltmp13, $3  }
0x177: {  	_ =	sdelay $0x1  }
0x178: {  	v47 =	vmovc v26;
	v41 =	vmov v44;
	v39 =	vmov v37;
	v26 =	vmov v40  }
0x179: {  	v45 =	vmovc v31;
	v43 =	vmovc v38;
	v42 =	vmov v35;
	v40 =	vmov v36;
	v37 =	vmov v34  }
.LBB2_14:
.Ltmp14:
0x17a: {  	(pc) =	sbr.rel .LBB2_19-.Ltmp14, $2  }
0x17b: {  	_ =	sdelay $0x2  }
0x17c: {  	v32 =	vmov v41  }
.LBB2_16:
.Ltmp15:
0x17d: {  	(pc) =	sbr.rel .LBB2_19-.Ltmp15, $3  }
0x17e: {  	_ =	sdelay $0x1  }
0x17f: {  	v47 =	vmovc v26;
	v41 =	vmovc v44;
	v39 =	vmov v37;
	v26 =	vmov v40;
	v45 =	vmov v31  }
0x180: {  	v43 =	vmovc v38;
	v42 =	vmovc v35;
	v40 =	vmov v36;
	v37 =	vmov v34;
	v32 =	vmov v44  }
.LBB2_22:
0x181: {  	_ =	sfence.sel $0x180000  }
0x182: {  	[bflag:$0x0] =	sbarrier.arrive $0xFFFF  }
0x183: {  	p0 =	sne.s32 s4, $0x0;
	_ =	strace $0x90000047  }
0x184: {  	s0 =	sadd.s32 @!p0 $0x100000, s0;
	[bflag:$0x2] =	sbarrier.arrive $0xFFFF  }
0x185: {  	[sflag:s0] =	ssyncadd.tile.s32 @!p0 $0x1;
	_ =	shalt  }
.Lfunc_end2:
_tile_overlayer_lowered:
.L_overlay_start_2:
0x186: {  	(tag) =	ssettag $0x2  }
0x187: {  	s0 =	rddreg [dreg:$0x0];
	s2 =	stileid.u32  }
0x188: {  	s1 =	rddreg [dreg:$0x1];
	p0 =	sne.s32 s2, $0x0  }
0x189: {  	s3 =	rddreg [dreg:$0x2];
	[bflag:$0x3] =	sbarrier.arrive $0xFFFF;
	s2 =	simm.s32 @!p0 $0x1C04  }
0x18a: {  	[timem:s3], [sflag:s2] =	dma.local @!p0 [hbm:s0], s1  }
0x18b: {  	s0 =	simm.s32 @!p0 $0x4  }
0x18c: {  	_ =	swait.ge @!p0 [sflag:s0], s1  }
0x18d: {  	s1 =	ssub.s32 @!p0 $0x0, s1;
	[sflag:s0] =	ssyncset.done @!p0 $0x0  }
0x18e: {  	[sflag:s0] =	ssyncadd.s32 @!p0 s1  }
0x18f: {  	[bflag:$0x3] =	sbarrier.arrive $0xFFFF  }
0x190: {  	_ =	shalt  }

</sc_bundles>
